<compile_context>
chip_gen: v7x
topology: tpu7x:2x2x1
jax: 0.10.2.dev20260603
libtpu: 0.0.44.dev20260713+nightly
codegen_flags: <defaults>
</compile_context>

<pallas_src>
import jax
import jax.numpy as jnp
from jax import lax
from jax.experimental import pallas as pl
from jax.experimental.pallas import tpu as pltpu
from jax.experimental.pallas import tpu_sc as plsc

_INFO = plsc.get_sparse_core_info()
_NC, _NS = _INFO.num_cores, _INFO.num_subcores
_NW = _NC * _NS

_G = 128
_CH = 512
_D = 64

_N_TRAJ = 16384 * 200
_N_USER = 16384
_TRAJ_CHUNKS = _N_TRAJ // (_NW * _CH)
_UCH = _N_USER // _NW


def _traj_body(traj_hbm, ltab_hbm, tout_hbm, idx_v, rows_v, isem, gsem, osem):
  wid = lax.axis_index("s") * _NC + lax.axis_index("c")
  base = wid * _TRAJ_CHUNKS

  def start_idx(g, b):
    pltpu.async_copy(traj_hbm.at[pl.ds((base + g) * _CH, _CH)],
                     idx_v.at[b], isem.at[b])

  def wait_idx(b):
    pltpu.make_async_copy(traj_hbm.at[pl.ds(0, _CH)], idx_v.at[b],
                          isem.at[b]).wait()

  def start_gathers(b):
    pltpu.async_copy(ltab_hbm.at[idx_v.at[b]], rows_v.at[b], gsem.at[b])

  def wait_gathers(b):
    pltpu.make_async_copy(ltab_hbm.at[pl.ds(0, _CH)], rows_v.at[b],
                          gsem.at[b]).wait()

  def start_out(g, b):
    pltpu.async_copy(rows_v.at[b],
                     tout_hbm.at[pl.ds((base + g) * _CH, _CH), pl.ds(0, _D)],
                     osem.at[b])

  def wait_out(b):
    pltpu.make_async_copy(rows_v.at[b],
                          tout_hbm.at[pl.ds(0, _CH), pl.ds(0, _D)],
                          osem.at[b]).wait()

  start_idx(0, 0)
  start_idx(1, 1)
  start_idx(2, 2)
  wait_idx(0)
  start_gathers(0)
  wait_idx(1)
  start_gathers(1)

  @pl.loop(0, _TRAJ_CHUNKS)
  def _(g):
    b0 = lax.rem(g, 3)
    b2 = lax.rem(g + 2, 3)

    @pl.when(g >= 1)
    def _():
      wait_out(b2)

    @pl.when(g + 2 < _TRAJ_CHUNKS)
    def _():
      wait_idx(b2)
      start_gathers(b2)
    wait_gathers(b0)

    @pl.when(g + 3 < _TRAJ_CHUNKS)
    def _():
      start_idx(g + 3, b0)
    start_out(g, b0)

  wait_out((_TRAJ_CHUNKS - 1) % 3)


def _user_body(user_hbm, utab_hbm, uout_hbm, idx_v, rows_v, gsem):
  wid = lax.axis_index("s") * _NC + lax.axis_index("c")
  ubase = wid * _UCH
  pltpu.sync_copy(user_hbm.at[pl.ds(ubase, _UCH)], idx_v)
  copies = [
      pltpu.async_copy(utab_hbm.at[idx_v.at[pl.ds(j * _G, _G)]],
                       rows_v.at[pl.ds(j * _G, _G)], gsem)
      for j in range(_UCH // _G)
  ]
  for c in copies:
    c.wait()
  pltpu.sync_copy(rows_v,
                  uout_hbm.at[pl.ds(ubase, _UCH), pl.ds(0, _D)])


@jax.jit
def _sc_embed(user1d, traj1d, user_table, loc_table):
  mesh = plsc.VectorSubcoreMesh(core_axis_name="c", subcore_axis_name="s")
  traj_fn = pl.kernel(
      _traj_body,
      out_type=jax.ShapeDtypeStruct((_N_TRAJ, 2 * _D), jnp.float32),
      mesh=mesh,
      compiler_params=pltpu.CompilerParams(use_tc_tiling_on_sc=False),
      scratch_types=[
          pltpu.VMEM((3, _CH), jnp.int32),
          pltpu.VMEM((3, _CH, _D), jnp.float32),
          pltpu.SemaphoreType.DMA((3,)),
          pltpu.SemaphoreType.DMA((3,)),
          pltpu.SemaphoreType.DMA((3,)),
      ],
  )
  user_fn = pl.kernel(
      _user_body,
      out_type=jax.ShapeDtypeStruct((_N_USER, 2 * _D), jnp.float32),
      mesh=mesh,
      compiler_params=pltpu.CompilerParams(use_tc_tiling_on_sc=False),
      scratch_types=[
          pltpu.VMEM((_UCH,), jnp.int32),
          pltpu.VMEM((_UCH, _D), jnp.float32),
          pltpu.SemaphoreType.DMA,
      ],
  )
  tout = traj_fn(traj1d, loc_table)
  uout = user_fn(user1d, user_table)
  return uout, tout


def kernel(user, traj, user_table, loc_table):
  user1d = user.astype(jnp.int32)
  traj1d = traj.reshape(-1)
  uout128, tout128 = _sc_embed(user1d, traj1d, user_table, loc_table)
  return (uout128[:, :_D],
          tout128[:, :_D].reshape(16384, 200, _D))

# --- scband reference (transcript-rebuilt; emitter-appended) ---
"""Pipeline reference for scband-embedding-layer-39264591020057 (READ-ONLY COPY).

The authoritative reference and input builder live on the scoring server;
editing this copy changes nothing except your own understanding.
"""

import jax, jax.numpy as jnp
import numpy as np


def setup_inputs(seed: int = 0) -> dict:
    key = jax.random.key(seed)
    k1, k2, k3, k4 = jax.random.split(key, 4)
    user = jax.random.randint(k1, (16384,), 0, 1000000, dtype=jnp.int64) if jax.config.jax_enable_x64 else jax.random.randint(k1, (16384,), 0, 1000000, dtype=jnp.int32)
    traj = jax.random.randint(k2, (16384, 200), 0, 100000, dtype=jnp.int32)
    # nn.Embedding weights re-initialized with normal(std=0.1) after construction
    user_table = 0.1 * jax.random.normal(k3, (1000000, 64), dtype=jnp.float32)
    loc_table = 0.1 * jax.random.normal(k4, (100000, 64), dtype=jnp.float32)
    return {"user": user, "traj": traj, "user_table": user_table, "loc_table": loc_table}


def reference(user, traj, user_table, loc_table):
    # user_emb = self.userEmbLayer(user)
    user_emb = jnp.take(user_table, user, axis=0)
    # traj_emb = self.locEmbLayer(traj)
    traj_emb = jnp.take(loc_table, traj, axis=0)
    return (user_emb, traj_emb)

if __name__ == "__main__":
    import jax
    _d = setup_inputs()
    print(jax.jit(kernel)(*tuple(_d.values())))

</pallas_src>

<mosaic_0001>
#map = affine_map<(d0, d1) -> (0)>
#map1 = affine_map<(d0, d1) -> (0, 0)>
module attributes {stable_mosaic.version = 14 : i64} {
  func.func @_user_body(%arg0: i32, %arg1: i32, %arg2: memref<16384xi32, #tpu.memory_space<hbm>>, %arg3: memref<1000000x64xf32, #tpu.memory_space<hbm>>, %arg4: memref<16384x128xf32, #tpu.memory_space<hbm>>, %arg5: memref<512xi32, #tpu.memory_space<vmem>>, %arg6: memref<512x64xf32, #tpu.memory_space<vmem>>, %arg7: memref<!tpu.dma_semaphore, #tpu.memory_space<semaphore_mem>>) attributes {dimension_semantics = [#tpu.dimension_semantics<core_parallel>, #tpu.dimension_semantics<subcore_parallel>], iteration_bounds = array<i64: 2, 16>, scalar_prefetch = 0 : i64, scratch_operands = 3 : i64, tpu.core_type = #tpu.core_type<sc_vector_subcore>, window_params = [{transform_indices = #map}, {transform_indices = #map1}, {transform_indices = #map1}]} {
    %mul3A = arith.constant 2 : i32
    %mul3A_0 = arith.muli %arg1, %mul3A : i32
    %add3A = arith.addi %mul3A_0, %arg0 : i32
    %mul3A_1 = arith.constant 512 : i32
    %mul3A_2 = arith.muli %add3A, %mul3A_1 : i32
    "tpu.region"() ({
      %run_scoped3A = tpu.sem_alloc : memref<!tpu.dma_semaphore, #tpu.memory_space<semaphore_mem>>
      %dma_start3A_65 = tpu.memref_slice %arg2[%mul3A_2] : memref<16384xi32, #tpu.memory_space<hbm>> -> memref<512xi32, #tpu.memory_space<hbm>>
      %dma_start3A_66 = tpu.memref_slice %arg2[%mul3A_2] : memref<16384xi32, #tpu.memory_space<hbm>> -> memref<512xi32, #tpu.memory_space<hbm>>
      tpu.enqueue_dma source(%dma_start3A_66 : memref<512xi32, #tpu.memory_space<hbm>>) target(%arg5 : memref<512xi32, #tpu.memory_space<vmem>>) target_semaphore(%run_scoped3A : memref<!tpu.dma_semaphore, #tpu.memory_space<semaphore_mem>>)
      %dma_wait3A_67 = tpu.memref_slice %arg2[%mul3A_2] : memref<16384xi32, #tpu.memory_space<hbm>> -> memref<512xi32, #tpu.memory_space<hbm>>
      %dma_wait3A_68 = tpu.memref_slice %arg2[%mul3A_2] : memref<16384xi32, #tpu.memory_space<hbm>> -> memref<512xi32, #tpu.memory_space<hbm>>
      tpu.wait_dma2 semaphore(%run_scoped3A : memref<!tpu.dma_semaphore, #tpu.memory_space<semaphore_mem>>) src(%dma_wait3A_68 : memref<512xi32, #tpu.memory_space<hbm>>) dst(%arg5 : memref<512xi32, #tpu.memory_space<vmem>>)
      tpu.yield
    }) : () -> ()
    %dma_start3A = arith.constant 0 : i32
    %dma_start3A_3 = arith.constant 0 : i32
    %dma_start3A_4 = tpu.memref_slice %arg6[%dma_start3A, %dma_start3A_3] : memref<512x64xf32, #tpu.memory_space<vmem>> -> memref<128x64xf32, #tpu.memory_space<vmem>>
    %dma_start3A_5 = arith.constant 0 : i32
    %dma_start3A_6 = tpu.memref_slice %arg5[%dma_start3A_5] : memref<512xi32, #tpu.memory_space<vmem>> -> memref<128xi32, #tpu.memory_space<vmem>>
    %dma_start3A_7 = arith.constant 0 : i32
    %dma_start3A_8 = arith.constant 0 : i32
    %dma_start3A_9 = tpu.memref_slice %arg3[%dma_start3A_7, %dma_start3A_8] : memref<1000000x64xf32, #tpu.memory_space<hbm>> -> memref<1000000x64xf32, #tpu.memory_space<hbm>>
    tpu.enqueue_indirect_dma source(%dma_start3A_9 : memref<1000000x64xf32, #tpu.memory_space<hbm>>) target(%dma_start3A_4 : memref<128x64xf32, #tpu.memory_space<vmem>>) offsets(%dma_start3A_6 : memref<128xi32, #tpu.memory_space<vmem>>) semaphore(%arg7 : memref<!tpu.dma_semaphore, #tpu.memory_space<semaphore_mem>>)
    %dma_start3A_10 = arith.constant 128 : i32
    %dma_start3A_11 = arith.constant 0 : i32
    %dma_start3A_12 = tpu.memref_slice %arg6[%dma_start3A_10, %dma_start3A_11] : memref<512x64xf32, #tpu.memory_space<vmem>> -> memref<128x64xf32, #tpu.memory_space<vmem>>
    %dma_start3A_13 = arith.constant 128 : i32
    %dma_start3A_14 = tpu.memref_slice %arg5[%dma_start3A_13] : memref<512xi32, #tpu.memory_space<vmem>> -> memref<128xi32, #tpu.memory_space<vmem>>
    %dma_start3A_15 = arith.constant 0 : i32
    %dma_start3A_16 = arith.constant 0 : i32
    %dma_start3A_17 = tpu.memref_slice %arg3[%dma_start3A_15, %dma_start3A_16] : memref<1000000x64xf32, #tpu.memory_space<hbm>> -> memref<1000000x64xf32, #tpu.memory_space<hbm>>
    tpu.enqueue_indirect_dma source(%dma_start3A_17 : memref<1000000x64xf32, #tpu.memory_space<hbm>>) target(%dma_start3A_12 : memref<128x64xf32, #tpu.memory_space<vmem>>) offsets(%dma_start3A_14 : memref<128xi32, #tpu.memory_space<vmem>>) semaphore(%arg7 : memref<!tpu.dma_semaphore, #tpu.memory_space<semaphore_mem>>)
    %dma_start3A_18 = arith.constant 256 : i32
    %dma_start3A_19 = arith.constant 0 : i32
    %dma_start3A_20 = tpu.memref_slice %arg6[%dma_start3A_18, %dma_start3A_19] : memref<512x64xf32, #tpu.memory_space<vmem>> -> memref<128x64xf32, #tpu.memory_space<vmem>>
    %dma_start3A_21 = arith.constant 256 : i32
    %dma_start3A_22 = tpu.memref_slice %arg5[%dma_start3A_21] : memref<512xi32, #tpu.memory_space<vmem>> -> memref<128xi32, #tpu.memory_space<vmem>>
    %dma_start3A_23 = arith.constant 0 : i32
    %dma_start3A_24 = arith.constant 0 : i32
    %dma_start3A_25 = tpu.memref_slice %arg3[%dma_start3A_23, %dma_start3A_24] : memref<1000000x64xf32, #tpu.memory_space<hbm>> -> memref<1000000x64xf32, #tpu.memory_space<hbm>>
    tpu.enqueue_indirect_dma source(%dma_start3A_25 : memref<1000000x64xf32, #tpu.memory_space<hbm>>) target(%dma_start3A_20 : memref<128x64xf32, #tpu.memory_space<vmem>>) offsets(%dma_start3A_22 : memref<128xi32, #tpu.memory_space<vmem>>) semaphore(%arg7 : memref<!tpu.dma_semaphore, #tpu.memory_space<semaphore_mem>>)
    %dma_start3A_26 = arith.constant 384 : i32
    %dma_start3A_27 = arith.constant 0 : i32
    %dma_start3A_28 = tpu.memref_slice %arg6[%dma_start3A_26, %dma_start3A_27] : memref<512x64xf32, #tpu.memory_space<vmem>> -> memref<128x64xf32, #tpu.memory_space<vmem>>
    %dma_start3A_29 = arith.constant 384 : i32
    %dma_start3A_30 = tpu.memref_slice %arg5[%dma_start3A_29] : memref<512xi32, #tpu.memory_space<vmem>> -> memref<128xi32, #tpu.memory_space<vmem>>
    %dma_start3A_31 = arith.constant 0 : i32
    %dma_start3A_32 = arith.constant 0 : i32
    %dma_start3A_33 = tpu.memref_slice %arg3[%dma_start3A_31, %dma_start3A_32] : memref<1000000x64xf32, #tpu.memory_space<hbm>> -> memref<1000000x64xf32, #tpu.memory_space<hbm>>
    tpu.enqueue_indirect_dma source(%dma_start3A_33 : memref<1000000x64xf32, #tpu.memory_space<hbm>>) target(%dma_start3A_28 : memref<128x64xf32, #tpu.memory_space<vmem>>) offsets(%dma_start3A_30 : memref<128xi32, #tpu.memory_space<vmem>>) semaphore(%arg7 : memref<!tpu.dma_semaphore, #tpu.memory_space<semaphore_mem>>)
    %dma_wait3A = arith.constant 0 : i32
    %dma_wait3A_34 = arith.constant 0 : i32
    %dma_wait3A_35 = tpu.memref_slice %arg6[%dma_wait3A, %dma_wait3A_34] : memref<512x64xf32, #tpu.memory_space<vmem>> -> memref<128x64xf32, #tpu.memory_space<vmem>>
    %dma_wait3A_36 = arith.constant 0 : i32
    %dma_wait3A_37 = tpu.memref_slice %arg5[%dma_wait3A_36] : memref<512xi32, #tpu.memory_space<vmem>> -> memref<128xi32, #tpu.memory_space<vmem>>
    %dma_wait3A_38 = arith.constant 0 : i32
    %dma_wait3A_39 = arith.constant 0 : i32
    %dma_wait3A_40 = tpu.memref_slice %arg3[%dma_wait3A_38, %dma_wait3A_39] : memref<1000000x64xf32, #tpu.memory_space<hbm>> -> memref<1000000x64xf32, #tpu.memory_space<hbm>>
    tpu.wait_indirect_dma semaphore(%arg7 : memref<!tpu.dma_semaphore, #tpu.memory_space<semaphore_mem>>) src(%dma_wait3A_40 : memref<1000000x64xf32, #tpu.memory_space<hbm>>) dst(%dma_wait3A_35 : memref<128x64xf32, #tpu.memory_space<vmem>>)
    %dma_wait3A_41 = arith.constant 128 : i32
    %dma_wait3A_42 = arith.constant 0 : i32
    %dma_wait3A_43 = tpu.memref_slice %arg6[%dma_wait3A_41, %dma_wait3A_42] : memref<512x64xf32, #tpu.memory_space<vmem>> -> memref<128x64xf32, #tpu.memory_space<vmem>>
    %dma_wait3A_44 = arith.constant 128 : i32
    %dma_wait3A_45 = tpu.memref_slice %arg5[%dma_wait3A_44] : memref<512xi32, #tpu.memory_space<vmem>> -> memref<128xi32, #tpu.memory_space<vmem>>
    %dma_wait3A_46 = arith.constant 0 : i32
    %dma_wait3A_47 = arith.constant 0 : i32
    %dma_wait3A_48 = tpu.memref_slice %arg3[%dma_wait3A_46, %dma_wait3A_47] : memref<1000000x64xf32, #tpu.memory_space<hbm>> -> memref<1000000x64xf32, #tpu.memory_space<hbm>>
    tpu.wait_indirect_dma semaphore(%arg7 : memref<!tpu.dma_semaphore, #tpu.memory_space<semaphore_mem>>) src(%dma_wait3A_48 : memref<1000000x64xf32, #tpu.memory_space<hbm>>) dst(%dma_wait3A_43 : memref<128x64xf32, #tpu.memory_space<vmem>>)
    %dma_wait3A_49 = arith.constant 256 : i32
    %dma_wait3A_50 = arith.constant 0 : i32
    %dma_wait3A_51 = tpu.memref_slice %arg6[%dma_wait3A_49, %dma_wait3A_50] : memref<512x64xf32, #tpu.memory_space<vmem>> -> memref<128x64xf32, #tpu.memory_space<vmem>>
    %dma_wait3A_52 = arith.constant 256 : i32
    %dma_wait3A_53 = tpu.memref_slice %arg5[%dma_wait3A_52] : memref<512xi32, #tpu.memory_space<vmem>> -> memref<128xi32, #tpu.memory_space<vmem>>
    %dma_wait3A_54 = arith.constant 0 : i32
    %dma_wait3A_55 = arith.constant 0 : i32
    %dma_wait3A_56 = tpu.memref_slice %arg3[%dma_wait3A_54, %dma_wait3A_55] : memref<1000000x64xf32, #tpu.memory_space<hbm>> -> memref<1000000x64xf32, #tpu.memory_space<hbm>>
    tpu.wait_indirect_dma semaphore(%arg7 : memref<!tpu.dma_semaphore, #tpu.memory_space<semaphore_mem>>) src(%dma_wait3A_56 : memref<1000000x64xf32, #tpu.memory_space<hbm>>) dst(%dma_wait3A_51 : memref<128x64xf32, #tpu.memory_space<vmem>>)
    %dma_wait3A_57 = arith.constant 384 : i32
    %dma_wait3A_58 = arith.constant 0 : i32
    %dma_wait3A_59 = tpu.memref_slice %arg6[%dma_wait3A_57, %dma_wait3A_58] : memref<512x64xf32, #tpu.memory_space<vmem>> -> memref<128x64xf32, #tpu.memory_space<vmem>>
    %dma_wait3A_60 = arith.constant 384 : i32
    %dma_wait3A_61 = tpu.memref_slice %arg5[%dma_wait3A_60] : memref<512xi32, #tpu.memory_space<vmem>> -> memref<128xi32, #tpu.memory_space<vmem>>
    %dma_wait3A_62 = arith.constant 0 : i32
    %dma_wait3A_63 = arith.constant 0 : i32
    %dma_wait3A_64 = tpu.memref_slice %arg3[%dma_wait3A_62, %dma_wait3A_63] : memref<1000000x64xf32, #tpu.memory_space<hbm>> -> memref<1000000x64xf32, #tpu.memory_space<hbm>>
    tpu.wait_indirect_dma semaphore(%arg7 : memref<!tpu.dma_semaphore, #tpu.memory_space<semaphore_mem>>) src(%dma_wait3A_64 : memref<1000000x64xf32, #tpu.memory_space<hbm>>) dst(%dma_wait3A_59 : memref<128x64xf32, #tpu.memory_space<vmem>>)
    "tpu.region"() ({
      %run_scoped3A = tpu.sem_alloc : memref<!tpu.dma_semaphore, #tpu.memory_space<semaphore_mem>>
      %dma_start3A_65 = arith.constant 0 : i32
      %dma_start3A_66 = tpu.memref_slice %arg4[%mul3A_2, %dma_start3A_65] : memref<16384x128xf32, #tpu.memory_space<hbm>> -> memref<512x64xf32, #tpu.memory_space<hbm>>
      %dma_start3A_67 = arith.constant 0 : i32
      %dma_start3A_68 = tpu.memref_slice %arg4[%mul3A_2, %dma_start3A_67] : memref<16384x128xf32, #tpu.memory_space<hbm>> -> memref<512x64xf32, #tpu.memory_space<hbm>>
      tpu.enqueue_dma source(%arg6 : memref<512x64xf32, #tpu.memory_space<vmem>>) target(%dma_start3A_68 : memref<512x64xf32, #tpu.memory_space<hbm>>) target_semaphore(%run_scoped3A : memref<!tpu.dma_semaphore, #tpu.memory_space<semaphore_mem>>)
      %dma_wait3A_69 = arith.constant 0 : i32
      %dma_wait3A_70 = tpu.memref_slice %arg4[%mul3A_2, %dma_wait3A_69] : memref<16384x128xf32, #tpu.memory_space<hbm>> -> memref<512x64xf32, #tpu.memory_space<hbm>>
      %dma_wait3A_71 = arith.constant 0 : i32
      %dma_wait3A_72 = tpu.memref_slice %arg4[%mul3A_2, %dma_wait3A_71] : memref<16384x128xf32, #tpu.memory_space<hbm>> -> memref<512x64xf32, #tpu.memory_space<hbm>>
      tpu.wait_dma2 semaphore(%run_scoped3A : memref<!tpu.dma_semaphore, #tpu.memory_space<semaphore_mem>>) src(%arg6 : memref<512x64xf32, #tpu.memory_space<vmem>>) dst(%dma_wait3A_72 : memref<512x64xf32, #tpu.memory_space<hbm>>)
      tpu.yield
    }) : () -> ()
    return
  }
}

#map = affine_map<(d0, d1) -> (0)>
#map1 = affine_map<(d0, d1) -> (0, 0)>
module attributes {stable_mosaic.version = 14 : i64} {
  func.func @_traj_body(%arg0: i32, %arg1: i32, %arg2: memref<3276800xi32, #tpu.memory_space<hbm>>, %arg3: memref<100000x64xf32, #tpu.memory_space<hbm>>, %arg4: memref<3276800x128xf32, #tpu.memory_space<hbm>>, %arg5: memref<3x512xi32, #tpu.memory_space<vmem>>, %arg6: memref<3x512x64xf32, #tpu.memory_space<vmem>>, %arg7: memref<3x!tpu.dma_semaphore, #tpu.memory_space<semaphore_mem>>, %arg8: memref<3x!tpu.dma_semaphore, #tpu.memory_space<semaphore_mem>>, %arg9: memref<3x!tpu.dma_semaphore, #tpu.memory_space<semaphore_mem>>) attributes {dimension_semantics = [#tpu.dimension_semantics<core_parallel>, #tpu.dimension_semantics<subcore_parallel>], iteration_bounds = array<i64: 2, 16>, scalar_prefetch = 0 : i64, scratch_operands = 5 : i64, tpu.core_type = #tpu.core_type<sc_vector_subcore>, window_params = [{transform_indices = #map}, {transform_indices = #map1}, {transform_indices = #map1}]} {
    %mul3A = arith.constant 2 : i32
    %mul3A_0 = arith.muli %arg1, %mul3A : i32
    %add3A = arith.addi %mul3A_0, %arg0 : i32
    %mul3A_1 = arith.constant 200 : i32
    %mul3A_2 = arith.muli %add3A, %mul3A_1 : i32
    %add3A_3 = arith.constant 0 : i32
    %add3A_4 = arith.addi %mul3A_2, %add3A_3 : i32
    %mul3A_5 = arith.constant 512 : i32
    %mul3A_6 = arith.muli %add3A_4, %mul3A_5 : i32
    %dma_start3A = arith.constant 0 : i32
    %dma_start3A_7 = arith.constant 0 : i32
    %dma_start3A_8 = arith.constant 0 : i32
    %dma_start3A_9 = tpu.memref_slice %arg5[%dma_start3A, %dma_start3A_8] : memref<3x512xi32, #tpu.memory_space<vmem>> -> memref<1x512xi32, #tpu.memory_space<vmem>>
    %dma_start3A_10 = tpu.memref_squeeze %dma_start3A_9 : memref<1x512xi32, #tpu.memory_space<vmem>> -> memref<512xi32, #tpu.memory_space<vmem>>
    %dma_start3A_11 = tpu.memref_slice %arg2[%mul3A_6] : memref<3276800xi32, #tpu.memory_space<hbm>> -> memref<512xi32, #tpu.memory_space<hbm>>
    %dma_start3A_12 = tpu.memref_slice %arg7[%dma_start3A_7] : memref<3x!tpu.dma_semaphore, #tpu.memory_space<semaphore_mem>> -> memref<1x!tpu.dma_semaphore, #tpu.memory_space<semaphore_mem>>
    %dma_start3A_13 = tpu.memref_squeeze %dma_start3A_12 : memref<1x!tpu.dma_semaphore, #tpu.memory_space<semaphore_mem>> -> memref<!tpu.dma_semaphore, #tpu.memory_space<semaphore_mem>>
    %dma_start3A_14 = arith.constant 0 : i32
    %dma_start3A_15 = tpu.memref_slice %arg5[%dma_start3A, %dma_start3A_14] : memref<3x512xi32, #tpu.memory_space<vmem>> -> memref<1x512xi32, #tpu.memory_space<vmem>>
    %dma_start3A_16 = tpu.memref_squeeze %dma_start3A_15 : memref<1x512xi32, #tpu.memory_space<vmem>> -> memref<512xi32, #tpu.memory_space<vmem>>
    %dma_start3A_17 = tpu.memref_slice %arg2[%mul3A_6] : memref<3276800xi32, #tpu.memory_space<hbm>> -> memref<512xi32, #tpu.memory_space<hbm>>
    tpu.enqueue_dma source(%dma_start3A_17 : memref<512xi32, #tpu.memory_space<hbm>>) target(%dma_start3A_16 : memref<512xi32, #tpu.memory_space<vmem>>) target_semaphore(%dma_start3A_13 : memref<!tpu.dma_semaphore, #tpu.memory_space<semaphore_mem>>)
    %add3A_18 = arith.constant 1 : i32
    %add3A_19 = arith.addi %mul3A_2, %add3A_18 : i32
    %mul3A_20 = arith.constant 512 : i32
    %mul3A_21 = arith.muli %add3A_19, %mul3A_20 : i32
    %dma_start3A_22 = arith.constant 1 : i32
    %dma_start3A_23 = arith.constant 1 : i32
    %dma_start3A_24 = arith.constant 0 : i32
    %dma_start3A_25 = tpu.memref_slice %arg5[%dma_start3A_22, %dma_start3A_24] : memref<3x512xi32, #tpu.memory_space<vmem>> -> memref<1x512xi32, #tpu.memory_space<vmem>>
    %dma_start3A_26 = tpu.memref_squeeze %dma_start3A_25 : memref<1x512xi32, #tpu.memory_space<vmem>> -> memref<512xi32, #tpu.memory_space<vmem>>
    %dma_start3A_27 = tpu.memref_slice %arg2[%mul3A_21] : memref<3276800xi32, #tpu.memory_space<hbm>> -> memref<512xi32, #tpu.memory_space<hbm>>
    %dma_start3A_28 = tpu.memref_slice %arg7[%dma_start3A_23] : memref<3x!tpu.dma_semaphore, #tpu.memory_space<semaphore_mem>> -> memref<1x!tpu.dma_semaphore, #tpu.memory_space<semaphore_mem>>
    %dma_start3A_29 = tpu.memref_squeeze %dma_start3A_28 : memref<1x!tpu.dma_semaphore, #tpu.memory_space<semaphore_mem>> -> memref<!tpu.dma_semaphore, #tpu.memory_space<semaphore_mem>>
    %dma_start3A_30 = arith.constant 0 : i32
    %dma_start3A_31 = tpu.memref_slice %arg5[%dma_start3A_22, %dma_start3A_30] : memref<3x512xi32, #tpu.memory_space<vmem>> -> memref<1x512xi32, #tpu.memory_space<vmem>>
    %dma_start3A_32 = tpu.memref_squeeze %dma_start3A_31 : memref<1x512xi32, #tpu.memory_space<vmem>> -> memref<512xi32, #tpu.memory_space<vmem>>
    %dma_start3A_33 = tpu.memref_slice %arg2[%mul3A_21] : memref<3276800xi32, #tpu.memory_space<hbm>> -> memref<512xi32, #tpu.memory_space<hbm>>
    tpu.enqueue_dma source(%dma_start3A_33 : memref<512xi32, #tpu.memory_space<hbm>>) target(%dma_start3A_32 : memref<512xi32, #tpu.memory_space<vmem>>) target_semaphore(%dma_start3A_29 : memref<!tpu.dma_semaphore, #tpu.memory_space<semaphore_mem>>)
    %add3A_34 = arith.constant 2 : i32
    %add3A_35 = arith.addi %mul3A_2, %add3A_34 : i32
    %mul3A_36 = arith.constant 512 : i32
    %mul3A_37 = arith.muli %add3A_35, %mul3A_36 : i32
    %dma_start3A_38 = arith.constant 2 : i32
    %dma_start3A_39 = arith.constant 2 : i32
    %dma_start3A_40 = arith.constant 0 : i32
    %dma_start3A_41 = tpu.memref_slice %arg5[%dma_start3A_38, %dma_start3A_40] : memref<3x512xi32, #tpu.memory_space<vmem>> -> memref<1x512xi32, #tpu.memory_space<vmem>>
    %dma_start3A_42 = tpu.memref_squeeze %dma_start3A_41 : memref<1x512xi32, #tpu.memory_space<vmem>> -> memref<512xi32, #tpu.memory_space<vmem>>
    %dma_start3A_43 = tpu.memref_slice %arg2[%mul3A_37] : memref<3276800xi32, #tpu.memory_space<hbm>> -> memref<512xi32, #tpu.memory_space<hbm>>
    %dma_start3A_44 = tpu.memref_slice %arg7[%dma_start3A_39] : memref<3x!tpu.dma_semaphore, #tpu.memory_space<semaphore_mem>> -> memref<1x!tpu.dma_semaphore, #tpu.memory_space<semaphore_mem>>
    %dma_start3A_45 = tpu.memref_squeeze %dma_start3A_44 : memref<1x!tpu.dma_semaphore, #tpu.memory_space<semaphore_mem>> -> memref<!tpu.dma_semaphore, #tpu.memory_space<semaphore_mem>>
    %dma_start3A_46 = arith.constant 0 : i32
    %dma_start3A_47 = tpu.memref_slice %arg5[%dma_start3A_38, %dma_start3A_46] : memref<3x512xi32, #tpu.memory_space<vmem>> -> memref<1x512xi32, #tpu.memory_space<vmem>>
    %dma_start3A_48 = tpu.memref_squeeze %dma_start3A_47 : memref<1x512xi32, #tpu.memory_space<vmem>> -> memref<512xi32, #tpu.memory_space<vmem>>
    %dma_start3A_49 = tpu.memref_slice %arg2[%mul3A_37] : memref<3276800xi32, #tpu.memory_space<hbm>> -> memref<512xi32, #tpu.memory_space<hbm>>
    tpu.enqueue_dma source(%dma_start3A_49 : memref<512xi32, #tpu.memory_space<hbm>>) target(%dma_start3A_48 : memref<512xi32, #tpu.memory_space<vmem>>) target_semaphore(%dma_start3A_45 : memref<!tpu.dma_semaphore, #tpu.memory_space<semaphore_mem>>)
    %dma_wait3A = arith.constant 0 : i32
    %dma_wait3A_50 = arith.constant 0 : i32
    %dma_wait3A_51 = arith.constant 0 : i32
    %dma_wait3A_52 = tpu.memref_slice %arg5[%dma_wait3A, %dma_wait3A_51] : memref<3x512xi32, #tpu.memory_space<vmem>> -> memref<1x512xi32, #tpu.memory_space<vmem>>
    %dma_wait3A_53 = tpu.memref_squeeze %dma_wait3A_52 : memref<1x512xi32, #tpu.memory_space<vmem>> -> memref<512xi32, #tpu.memory_space<vmem>>
    %dma_wait3A_54 = arith.constant 0 : i32
    %dma_wait3A_55 = tpu.memref_slice %arg2[%dma_wait3A_54] : memref<3276800xi32, #tpu.memory_space<hbm>> -> memref<512xi32, #tpu.memory_space<hbm>>
    %dma_wait3A_56 = tpu.memref_slice %arg7[%dma_wait3A_50] : memref<3x!tpu.dma_semaphore, #tpu.memory_space<semaphore_mem>> -> memref<1x!tpu.dma_semaphore, #tpu.memory_space<semaphore_mem>>
    %dma_wait3A_57 = tpu.memref_squeeze %dma_wait3A_56 : memref<1x!tpu.dma_semaphore, #tpu.memory_space<semaphore_mem>> -> memref<!tpu.dma_semaphore, #tpu.memory_space<semaphore_mem>>
    %dma_wait3A_58 = arith.constant 0 : i32
    %dma_wait3A_59 = tpu.memref_slice %arg5[%dma_wait3A, %dma_wait3A_58] : memref<3x512xi32, #tpu.memory_space<vmem>> -> memref<1x512xi32, #tpu.memory_space<vmem>>
    %dma_wait3A_60 = tpu.memref_squeeze %dma_wait3A_59 : memref<1x512xi32, #tpu.memory_space<vmem>> -> memref<512xi32, #tpu.memory_space<vmem>>
    %dma_wait3A_61 = arith.constant 0 : i32
    %dma_wait3A_62 = tpu.memref_slice %arg2[%dma_wait3A_61] : memref<3276800xi32, #tpu.memory_space<hbm>> -> memref<512xi32, #tpu.memory_space<hbm>>
    tpu.wait_dma2 semaphore(%dma_wait3A_57 : memref<!tpu.dma_semaphore, #tpu.memory_space<semaphore_mem>>) src(%dma_wait3A_62 : memref<512xi32, #tpu.memory_space<hbm>>) dst(%dma_wait3A_60 : memref<512xi32, #tpu.memory_space<vmem>>)
    %dma_start3A_63 = arith.constant 0 : i32
    %dma_start3A_64 = arith.constant 0 : i32
    %dma_start3A_65 = arith.constant 0 : i32
    %dma_start3A_66 = arith.constant 0 : i32
    %dma_start3A_67 = arith.constant 0 : i32
    %dma_start3A_68 = tpu.memref_slice %arg6[%dma_start3A_64, %dma_start3A_66, %dma_start3A_67] : memref<3x512x64xf32, #tpu.memory_space<vmem>> -> memref<1x512x64xf32, #tpu.memory_space<vmem>>
    %dma_start3A_69 = tpu.memref_squeeze %dma_start3A_68 : memref<1x512x64xf32, #tpu.memory_space<vmem>> -> memref<512x64xf32, #tpu.memory_space<vmem>>
    %dma_start3A_70 = arith.constant 0 : i32
    %dma_start3A_71 = tpu.memref_slice %arg5[%dma_start3A_63, %dma_start3A_70] : memref<3x512xi32, #tpu.memory_space<vmem>> -> memref<1x512xi32, #tpu.memory_space<vmem>>
    %dma_start3A_72 = tpu.memref_squeeze %dma_start3A_71 : memref<1x512xi32, #tpu.memory_space<vmem>> -> memref<512xi32, #tpu.memory_space<vmem>>
    %dma_start3A_73 = arith.constant 0 : i32
    %dma_start3A_74 = arith.constant 0 : i32
    %dma_start3A_75 = tpu.memref_slice %arg3[%dma_start3A_73, %dma_start3A_74] : memref<100000x64xf32, #tpu.memory_space<hbm>> -> memref<100000x64xf32, #tpu.memory_space<hbm>>
    %dma_start3A_76 = tpu.memref_slice %arg8[%dma_start3A_65] : memref<3x!tpu.dma_semaphore, #tpu.memory_space<semaphore_mem>> -> memref<1x!tpu.dma_semaphore, #tpu.memory_space<semaphore_mem>>
    %dma_start3A_77 = tpu.memref_squeeze %dma_start3A_76 : memref<1x!tpu.dma_semaphore, #tpu.memory_space<semaphore_mem>> -> memref<!tpu.dma_semaphore, #tpu.memory_space<semaphore_mem>>
    tpu.enqueue_indirect_dma source(%dma_start3A_75 : memref<100000x64xf32, #tpu.memory_space<hbm>>) target(%dma_start3A_69 : memref<512x64xf32, #tpu.memory_space<vmem>>) offsets(%dma_start3A_72 : memref<512xi32, #tpu.memory_space<vmem>>) semaphore(%dma_start3A_77 : memref<!tpu.dma_semaphore, #tpu.memory_space<semaphore_mem>>)
    %dma_wait3A_78 = arith.constant 1 : i32
    %dma_wait3A_79 = arith.constant 1 : i32
    %dma_wait3A_80 = arith.constant 0 : i32
    %dma_wait3A_81 = tpu.memref_slice %arg5[%dma_wait3A_78, %dma_wait3A_80] : memref<3x512xi32, #tpu.memory_space<vmem>> -> memref<1x512xi32, #tpu.memory_space<vmem>>
    %dma_wait3A_82 = tpu.memref_squeeze %dma_wait3A_81 : memref<1x512xi32, #tpu.memory_space<vmem>> -> memref<512xi32, #tpu.memory_space<vmem>>
    %dma_wait3A_83 = arith.constant 0 : i32
    %dma_wait3A_84 = tpu.memref_slice %arg2[%dma_wait3A_83] : memref<3276800xi32, #tpu.memory_space<hbm>> -> memref<512xi32, #tpu.memory_space<hbm>>
    %dma_wait3A_85 = tpu.memref_slice %arg7[%dma_wait3A_79] : memref<3x!tpu.dma_semaphore, #tpu.memory_space<semaphore_mem>> -> memref<1x!tpu.dma_semaphore, #tpu.memory_space<semaphore_mem>>
    %dma_wait3A_86 = tpu.memref_squeeze %dma_wait3A_85 : memref<1x!tpu.dma_semaphore, #tpu.memory_space<semaphore_mem>> -> memref<!tpu.dma_semaphore, #tpu.memory_space<semaphore_mem>>
    %dma_wait3A_87 = arith.constant 0 : i32
    %dma_wait3A_88 = tpu.memref_slice %arg5[%dma_wait3A_78, %dma_wait3A_87] : memref<3x512xi32, #tpu.memory_space<vmem>> -> memref<1x512xi32, #tpu.memory_space<vmem>>
    %dma_wait3A_89 = tpu.memref_squeeze %dma_wait3A_88 : memref<1x512xi32, #tpu.memory_space<vmem>> -> memref<512xi32, #tpu.memory_space<vmem>>
    %dma_wait3A_90 = arith.constant 0 : i32
    %dma_wait3A_91 = tpu.memref_slice %arg2[%dma_wait3A_90] : memref<3276800xi32, #tpu.memory_space<hbm>> -> memref<512xi32, #tpu.memory_space<hbm>>
    tpu.wait_dma2 semaphore(%dma_wait3A_86 : memref<!tpu.dma_semaphore, #tpu.memory_space<semaphore_mem>>) src(%dma_wait3A_91 : memref<512xi32, #tpu.memory_space<hbm>>) dst(%dma_wait3A_89 : memref<512xi32, #tpu.memory_space<vmem>>)
    %dma_start3A_92 = arith.constant 1 : i32
    %dma_start3A_93 = arith.constant 1 : i32
    %dma_start3A_94 = arith.constant 1 : i32
    %dma_start3A_95 = arith.constant 0 : i32
    %dma_start3A_96 = arith.constant 0 : i32
    %dma_start3A_97 = tpu.memref_slice %arg6[%dma_start3A_93, %dma_start3A_95, %dma_start3A_96] : memref<3x512x64xf32, #tpu.memory_space<vmem>> -> memref<1x512x64xf32, #tpu.memory_space<vmem>>
    %dma_start3A_98 = tpu.memref_squeeze %dma_start3A_97 : memref<1x512x64xf32, #tpu.memory_space<vmem>> -> memref<512x64xf32, #tpu.memory_space<vmem>>
    %dma_start3A_99 = arith.constant 0 : i32
    %dma_start3A_100 = tpu.memref_slice %arg5[%dma_start3A_92, %dma_start3A_99] : memref<3x512xi32, #tpu.memory_space<vmem>> -> memref<1x512xi32, #tpu.memory_space<vmem>>
    %dma_start3A_101 = tpu.memref_squeeze %dma_start3A_100 : memref<1x512xi32, #tpu.memory_space<vmem>> -> memref<512xi32, #tpu.memory_space<vmem>>
    %dma_start3A_102 = arith.constant 0 : i32
    %dma_start3A_103 = arith.constant 0 : i32
    %dma_start3A_104 = tpu.memref_slice %arg3[%dma_start3A_102, %dma_start3A_103] : memref<100000x64xf32, #tpu.memory_space<hbm>> -> memref<100000x64xf32, #tpu.memory_space<hbm>>
    %dma_start3A_105 = tpu.memref_slice %arg8[%dma_start3A_94] : memref<3x!tpu.dma_semaphore, #tpu.memory_space<semaphore_mem>> -> memref<1x!tpu.dma_semaphore, #tpu.memory_space<semaphore_mem>>
    %dma_start3A_106 = tpu.memref_squeeze %dma_start3A_105 : memref<1x!tpu.dma_semaphore, #tpu.memory_space<semaphore_mem>> -> memref<!tpu.dma_semaphore, #tpu.memory_space<semaphore_mem>>
    tpu.enqueue_indirect_dma source(%dma_start3A_104 : memref<100000x64xf32, #tpu.memory_space<hbm>>) target(%dma_start3A_98 : memref<512x64xf32, #tpu.memory_space<vmem>>) offsets(%dma_start3A_101 : memref<512xi32, #tpu.memory_space<vmem>>) semaphore(%dma_start3A_106 : memref<!tpu.dma_semaphore, #tpu.memory_space<semaphore_mem>>)
    %scan3A = arith.constant 0 : i32
    %scan3A_107 = arith.constant 200 : i32
    %scan3A_108 = arith.addi %scan3A, %scan3A_107 : i32
    %scan3A_109 = arith.constant 1 : i32
    scf.for %scan3A_129 = %scan3A to %scan3A_108 step %scan3A_109  : i32 {
      %mul3A_130 = arith.constant 1 : i32
      %mul3A_131 = arith.muli %scan3A_129, %mul3A_130 : i32
      %add3A_132 = arith.constant 0 : i32
      %add3A_133 = arith.addi %add3A_132, %mul3A_131 : i32
      %rem3A = arith.constant 3 : i32
      %rem3A_134 = arith.remsi %add3A_133, %rem3A : i32
      %add3A_135 = arith.constant 2 : i32
      %add3A_136 = arith.addi %add3A_133, %add3A_135 : i32
      %rem3A_137 = arith.constant 3 : i32
      %rem3A_138 = arith.remsi %add3A_136, %rem3A_137 : i32
      %ge3A = arith.constant 1 : i32
      %ge3A_139 = arith.cmpi sge, %add3A_133, %ge3A : i32
      %convert_element_type3A = arith.extui %ge3A_139 : i1 to i32
      %cond3A = arith.constant 0 : i32
      %cond3A_140 = arith.cmpi ne, %convert_element_type3A, %cond3A : i32
      scf.if %cond3A_140 {
        %dma_wait3A_187 = arith.constant 0 : i32
        %dma_wait3A_188 = arith.constant 0 : i32
        %dma_wait3A_189 = tpu.memref_slice %arg6[%rem3A_138, %dma_wait3A_187, %dma_wait3A_188] : memref<3x512x64xf32, #tpu.memory_space<vmem>> -> memref<1x512x64xf32, #tpu.memory_space<vmem>>
        %dma_wait3A_190 = tpu.memref_squeeze %dma_wait3A_189 : memref<1x512x64xf32, #tpu.memory_space<vmem>> -> memref<512x64xf32, #tpu.memory_space<vmem>>
        %dma_wait3A_191 = arith.constant 0 : i32
        %dma_wait3A_192 = arith.constant 0 : i32
        %dma_wait3A_193 = tpu.memref_slice %arg4[%dma_wait3A_191, %dma_wait3A_192] : memref<3276800x128xf32, #tpu.memory_space<hbm>> -> memref<512x64xf32, #tpu.memory_space<hbm>>
        %dma_wait3A_194 = tpu.memref_slice %arg9[%rem3A_138] : memref<3x!tpu.dma_semaphore, #tpu.memory_space<semaphore_mem>> -> memref<1x!tpu.dma_semaphore, #tpu.memory_space<semaphore_mem>>
        %dma_wait3A_195 = tpu.memref_squeeze %dma_wait3A_194 : memref<1x!tpu.dma_semaphore, #tpu.memory_space<semaphore_mem>> -> memref<!tpu.dma_semaphore, #tpu.memory_space<semaphore_mem>>
        %dma_wait3A_196 = arith.constant 0 : i32
        %dma_wait3A_197 = arith.constant 0 : i32
        %dma_wait3A_198 = tpu.memref_slice %arg4[%dma_wait3A_196, %dma_wait3A_197] : memref<3276800x128xf32, #tpu.memory_space<hbm>> -> memref<512x64xf32, #tpu.memory_space<hbm>>
        %dma_wait3A_199 = arith.constant 0 : i32
        %dma_wait3A_200 = arith.constant 0 : i32
        %dma_wait3A_201 = tpu.memref_slice %arg6[%rem3A_138, %dma_wait3A_199, %dma_wait3A_200] : memref<3x512x64xf32, #tpu.memory_space<vmem>> -> memref<1x512x64xf32, #tpu.memory_space<vmem>>
        %dma_wait3A_202 = tpu.memref_squeeze %dma_wait3A_201 : memref<1x512x64xf32, #tpu.memory_space<vmem>> -> memref<512x64xf32, #tpu.memory_space<vmem>>
        tpu.wait_dma2 semaphore(%dma_wait3A_195 : memref<!tpu.dma_semaphore, #tpu.memory_space<semaphore_mem>>) src(%dma_wait3A_202 : memref<512x64xf32, #tpu.memory_space<vmem>>) dst(%dma_wait3A_198 : memref<512x64xf32, #tpu.memory_space<hbm>>)
      } else {
      }
      %add3A_141 = arith.constant 2 : i32
      %add3A_142 = arith.addi %add3A_133, %add3A_141 : i32
      %lt3A = arith.constant 200 : i32
      %lt3A_143 = arith.cmpi slt, %add3A_142, %lt3A : i32
      %convert_element_type3A_144 = arith.extui %lt3A_143 : i1 to i32
      %cond3A_145 = arith.constant 0 : i32
      %cond3A_146 = arith.cmpi ne, %convert_element_type3A_144, %cond3A_145 : i32
      scf.if %cond3A_146 {
        %dma_wait3A_187 = arith.constant 0 : i32
        %dma_wait3A_188 = tpu.memref_slice %arg5[%rem3A_138, %dma_wait3A_187] : memref<3x512xi32, #tpu.memory_space<vmem>> -> memref<1x512xi32, #tpu.memory_space<vmem>>
        %dma_wait3A_189 = tpu.memref_squeeze %dma_wait3A_188 : memref<1x512xi32, #tpu.memory_space<vmem>> -> memref<512xi32, #tpu.memory_space<vmem>>
        %dma_wait3A_190 = arith.constant 0 : i32
        %dma_wait3A_191 = tpu.memref_slice %arg2[%dma_wait3A_190] : memref<3276800xi32, #tpu.memory_space<hbm>> -> memref<512xi32, #tpu.memory_space<hbm>>
        %dma_wait3A_192 = tpu.memref_slice %arg7[%rem3A_138] : memref<3x!tpu.dma_semaphore, #tpu.memory_space<semaphore_mem>> -> memref<1x!tpu.dma_semaphore, #tpu.memory_space<semaphore_mem>>
        %dma_wait3A_193 = tpu.memref_squeeze %dma_wait3A_192 : memref<1x!tpu.dma_semaphore, #tpu.memory_space<semaphore_mem>> -> memref<!tpu.dma_semaphore, #tpu.memory_space<semaphore_mem>>
        %dma_wait3A_194 = arith.constant 0 : i32
        %dma_wait3A_195 = tpu.memref_slice %arg5[%rem3A_138, %dma_wait3A_194] : memref<3x512xi32, #tpu.memory_space<vmem>> -> memref<1x512xi32, #tpu.memory_space<vmem>>
        %dma_wait3A_196 = tpu.memref_squeeze %dma_wait3A_195 : memref<1x512xi32, #tpu.memory_space<vmem>> -> memref<512xi32, #tpu.memory_space<vmem>>
        %dma_wait3A_197 = arith.constant 0 : i32
        %dma_wait3A_198 = tpu.memref_slice %arg2[%dma_wait3A_197] : memref<3276800xi32, #tpu.memory_space<hbm>> -> memref<512xi32, #tpu.memory_space<hbm>>
        tpu.wait_dma2 semaphore(%dma_wait3A_193 : memref<!tpu.dma_semaphore, #tpu.memory_space<semaphore_mem>>) src(%dma_wait3A_198 : memref<512xi32, #tpu.memory_space<hbm>>) dst(%dma_wait3A_196 : memref<512xi32, #tpu.memory_space<vmem>>)
        %dma_start3A_199 = arith.constant 0 : i32
        %dma_start3A_200 = arith.constant 0 : i32
        %dma_start3A_201 = tpu.memref_slice %arg6[%rem3A_138, %dma_start3A_199, %dma_start3A_200] : memref<3x512x64xf32, #tpu.memory_space<vmem>> -> memref<1x512x64xf32, #tpu.memory_space<vmem>>
        %dma_start3A_202 = tpu.memref_squeeze %dma_start3A_201 : memref<1x512x64xf32, #tpu.memory_space<vmem>> -> memref<512x64xf32, #tpu.memory_space<vmem>>
        %dma_start3A_203 = arith.constant 0 : i32
        %dma_start3A_204 = tpu.memref_slice %arg5[%rem3A_138, %dma_start3A_203] : memref<3x512xi32, #tpu.memory_space<vmem>> -> memref<1x512xi32, #tpu.memory_space<vmem>>
        %dma_start3A_205 = tpu.memref_squeeze %dma_start3A_204 : memref<1x512xi32, #tpu.memory_space<vmem>> -> memref<512xi32, #tpu.memory_space<vmem>>
        %dma_start3A_206 = arith.constant 0 : i32
        %dma_start3A_207 = arith.constant 0 : i32
        %dma_start3A_208 = tpu.memref_slice %arg3[%dma_start3A_206, %dma_start3A_207] : memref<100000x64xf32, #tpu.memory_space<hbm>> -> memref<100000x64xf32, #tpu.memory_space<hbm>>
        %dma_start3A_209 = tpu.memref_slice %arg8[%rem3A_138] : memref<3x!tpu.dma_semaphore, #tpu.memory_space<semaphore_mem>> -> memref<1x!tpu.dma_semaphore, #tpu.memory_space<semaphore_mem>>
        %dma_start3A_210 = tpu.memref_squeeze %dma_start3A_209 : memref<1x!tpu.dma_semaphore, #tpu.memory_space<semaphore_mem>> -> memref<!tpu.dma_semaphore, #tpu.memory_space<semaphore_mem>>
        tpu.enqueue_indirect_dma source(%dma_start3A_208 : memref<100000x64xf32, #tpu.memory_space<hbm>>) target(%dma_start3A_202 : memref<512x64xf32, #tpu.memory_space<vmem>>) offsets(%dma_start3A_205 : memref<512xi32, #tpu.memory_space<vmem>>) semaphore(%dma_start3A_210 : memref<!tpu.dma_semaphore, #tpu.memory_space<semaphore_mem>>)
      } else {
      }
      %dma_wait3A_147 = arith.constant 0 : i32
      %dma_wait3A_148 = arith.constant 0 : i32
      %dma_wait3A_149 = tpu.memref_slice %arg6[%rem3A_134, %dma_wait3A_147, %dma_wait3A_148] : memref<3x512x64xf32, #tpu.memory_space<vmem>> -> memref<1x512x64xf32, #tpu.memory_space<vmem>>
      %dma_wait3A_150 = tpu.memref_squeeze %dma_wait3A_149 : memref<1x512x64xf32, #tpu.memory_space<vmem>> -> memref<512x64xf32, #tpu.memory_space<vmem>>
      %dma_wait3A_151 = arith.constant 0 : i32
      %dma_wait3A_152 = arith.constant 0 : i32
      %dma_wait3A_153 = tpu.memref_slice %arg3[%dma_wait3A_151, %dma_wait3A_152] : memref<100000x64xf32, #tpu.memory_space<hbm>> -> memref<512x64xf32, #tpu.memory_space<hbm>>
      %dma_wait3A_154 = tpu.memref_slice %arg8[%rem3A_134] : memref<3x!tpu.dma_semaphore, #tpu.memory_space<semaphore_mem>> -> memref<1x!tpu.dma_semaphore, #tpu.memory_space<semaphore_mem>>
      %dma_wait3A_155 = tpu.memref_squeeze %dma_wait3A_154 : memref<1x!tpu.dma_semaphore, #tpu.memory_space<semaphore_mem>> -> memref<!tpu.dma_semaphore, #tpu.memory_space<semaphore_mem>>
      %dma_wait3A_156 = arith.constant 0 : i32
      %dma_wait3A_157 = arith.constant 0 : i32
      %dma_wait3A_158 = tpu.memref_slice %arg6[%rem3A_134, %dma_wait3A_156, %dma_wait3A_157] : memref<3x512x64xf32, #tpu.memory_space<vmem>> -> memref<1x512x64xf32, #tpu.memory_space<vmem>>
      %dma_wait3A_159 = tpu.memref_squeeze %dma_wait3A_158 : memref<1x512x64xf32, #tpu.memory_space<vmem>> -> memref<512x64xf32, #tpu.memory_space<vmem>>
      %dma_wait3A_160 = arith.constant 0 : i32
      %dma_wait3A_161 = arith.constant 0 : i32
      %dma_wait3A_162 = tpu.memref_slice %arg3[%dma_wait3A_160, %dma_wait3A_161] : memref<100000x64xf32, #tpu.memory_space<hbm>> -> memref<512x64xf32, #tpu.memory_space<hbm>>
      tpu.wait_dma2 semaphore(%dma_wait3A_155 : memref<!tpu.dma_semaphore, #tpu.memory_space<semaphore_mem>>) src(%dma_wait3A_162 : memref<512x64xf32, #tpu.memory_space<hbm>>) dst(%dma_wait3A_159 : memref<512x64xf32, #tpu.memory_space<vmem>>)
      %add3A_163 = arith.constant 3 : i32
      %add3A_164 = arith.addi %add3A_133, %add3A_163 : i32
      %lt3A_165 = arith.constant 200 : i32
      %lt3A_166 = arith.cmpi slt, %add3A_164, %lt3A_165 : i32
      %convert_element_type3A_167 = arith.extui %lt3A_166 : i1 to i32
      %cond3A_168 = arith.constant 0 : i32
      %cond3A_169 = arith.cmpi ne, %convert_element_type3A_167, %cond3A_168 : i32
      scf.if %cond3A_169 {
        %add3A_187 = arith.constant 3 : i32
        %add3A_188 = arith.addi %add3A_133, %add3A_187 : i32
        %add3A_189 = arith.addi %mul3A_2, %add3A_188 : i32
        %mul3A_190 = arith.constant 512 : i32
        %mul3A_191 = arith.muli %add3A_189, %mul3A_190 : i32
        %dma_start3A_192 = arith.constant 0 : i32
        %dma_start3A_193 = tpu.memref_slice %arg5[%rem3A_134, %dma_start3A_192] : memref<3x512xi32, #tpu.memory_space<vmem>> -> memref<1x512xi32, #tpu.memory_space<vmem>>
        %dma_start3A_194 = tpu.memref_squeeze %dma_start3A_193 : memref<1x512xi32, #tpu.memory_space<vmem>> -> memref<512xi32, #tpu.memory_space<vmem>>
        %dma_start3A_195 = tpu.memref_slice %arg2[%mul3A_191] : memref<3276800xi32, #tpu.memory_space<hbm>> -> memref<512xi32, #tpu.memory_space<hbm>>
        %dma_start3A_196 = tpu.memref_slice %arg7[%rem3A_134] : memref<3x!tpu.dma_semaphore, #tpu.memory_space<semaphore_mem>> -> memref<1x!tpu.dma_semaphore, #tpu.memory_space<semaphore_mem>>
        %dma_start3A_197 = tpu.memref_squeeze %dma_start3A_196 : memref<1x!tpu.dma_semaphore, #tpu.memory_space<semaphore_mem>> -> memref<!tpu.dma_semaphore, #tpu.memory_space<semaphore_mem>>
        %dma_start3A_198 = arith.constant 0 : i32
        %dma_start3A_199 = tpu.memref_slice %arg5[%rem3A_134, %dma_start3A_198] : memref<3x512xi32, #tpu.memory_space<vmem>> -> memref<1x512xi32, #tpu.memory_space<vmem>>
        %dma_start3A_200 = tpu.memref_squeeze %dma_start3A_199 : memref<1x512xi32, #tpu.memory_space<vmem>> -> memref<512xi32, #tpu.memory_space<vmem>>
        %dma_start3A_201 = tpu.memref_slice %arg2[%mul3A_191] : memref<3276800xi32, #tpu.memory_space<hbm>> -> memref<512xi32, #tpu.memory_space<hbm>>
        tpu.enqueue_dma source(%dma_start3A_201 : memref<512xi32, #tpu.memory_space<hbm>>) target(%dma_start3A_200 : memref<512xi32, #tpu.memory_space<vmem>>) target_semaphore(%dma_start3A_197 : memref<!tpu.dma_semaphore, #tpu.memory_space<semaphore_mem>>)
      } else {
      }
      %add3A_170 = arith.addi %mul3A_2, %add3A_133 : i32
      %mul3A_171 = arith.constant 512 : i32
      %mul3A_172 = arith.muli %add3A_170, %mul3A_171 : i32
      %dma_start3A_173 = arith.constant 0 : i32
      %dma_start3A_174 = arith.constant 0 : i32
      %dma_start3A_175 = tpu.memref_slice %arg6[%rem3A_134, %dma_start3A_173, %dma_start3A_174] : memref<3x512x64xf32, #tpu.memory_space<vmem>> -> memref<1x512x64xf32, #tpu.memory_space<vmem>>
      %dma_start3A_176 = tpu.memref_squeeze %dma_start3A_175 : memref<1x512x64xf32, #tpu.memory_space<vmem>> -> memref<512x64xf32, #tpu.memory_space<vmem>>
      %dma_start3A_177 = arith.constant 0 : i32
      %dma_start3A_178 = tpu.memref_slice %arg4[%mul3A_172, %dma_start3A_177] : memref<3276800x128xf32, #tpu.memory_space<hbm>> -> memref<512x64xf32, #tpu.memory_space<hbm>>
      %dma_start3A_179 = tpu.memref_slice %arg9[%rem3A_134] : memref<3x!tpu.dma_semaphore, #tpu.memory_space<semaphore_mem>> -> memref<1x!tpu.dma_semaphore, #tpu.memory_space<semaphore_mem>>
      %dma_start3A_180 = tpu.memref_squeeze %dma_start3A_179 : memref<1x!tpu.dma_semaphore, #tpu.memory_space<semaphore_mem>> -> memref<!tpu.dma_semaphore, #tpu.memory_space<semaphore_mem>>
      %dma_start3A_181 = arith.constant 0 : i32
      %dma_start3A_182 = tpu.memref_slice %arg4[%mul3A_172, %dma_start3A_181] : memref<3276800x128xf32, #tpu.memory_space<hbm>> -> memref<512x64xf32, #tpu.memory_space<hbm>>
      %dma_start3A_183 = arith.constant 0 : i32
      %dma_start3A_184 = arith.constant 0 : i32
      %dma_start3A_185 = tpu.memref_slice %arg6[%rem3A_134, %dma_start3A_183, %dma_start3A_184] : memref<3x512x64xf32, #tpu.memory_space<vmem>> -> memref<1x512x64xf32, #tpu.memory_space<vmem>>
      %dma_start3A_186 = tpu.memref_squeeze %dma_start3A_185 : memref<1x512x64xf32, #tpu.memory_space<vmem>> -> memref<512x64xf32, #tpu.memory_space<vmem>>
      tpu.enqueue_dma source(%dma_start3A_186 : memref<512x64xf32, #tpu.memory_space<vmem>>) target(%dma_start3A_182 : memref<512x64xf32, #tpu.memory_space<hbm>>) target_semaphore(%dma_start3A_180 : memref<!tpu.dma_semaphore, #tpu.memory_space<semaphore_mem>>)
    }
    %scan3A_110 = arith.constant 200 : i32
    %dma_wait3A_111 = arith.constant 1 : i32
    %dma_wait3A_112 = arith.constant 1 : i32
    %dma_wait3A_113 = arith.constant 0 : i32
    %dma_wait3A_114 = arith.constant 0 : i32
    %dma_wait3A_115 = tpu.memref_slice %arg6[%dma_wait3A_111, %dma_wait3A_113, %dma_wait3A_114] : memref<3x512x64xf32, #tpu.memory_space<vmem>> -> memref<1x512x64xf32, #tpu.memory_space<vmem>>
    %dma_wait3A_116 = tpu.memref_squeeze %dma_wait3A_115 : memref<1x512x64xf32, #tpu.memory_space<vmem>> -> memref<512x64xf32, #tpu.memory_space<vmem>>
    %dma_wait3A_117 = arith.constant 0 : i32
    %dma_wait3A_118 = arith.constant 0 : i32
    %dma_wait3A_119 = tpu.memref_slice %arg4[%dma_wait3A_117, %dma_wait3A_118] : memref<3276800x128xf32, #tpu.memory_space<hbm>> -> memref<512x64xf32, #tpu.memory_space<hbm>>
    %dma_wait3A_120 = tpu.memref_slice %arg9[%dma_wait3A_112] : memref<3x!tpu.dma_semaphore, #tpu.memory_space<semaphore_mem>> -> memref<1x!tpu.dma_semaphore, #tpu.memory_space<semaphore_mem>>
    %dma_wait3A_121 = tpu.memref_squeeze %dma_wait3A_120 : memref<1x!tpu.dma_semaphore, #tpu.memory_space<semaphore_mem>> -> memref<!tpu.dma_semaphore, #tpu.memory_space<semaphore_mem>>
    %dma_wait3A_122 = arith.constant 0 : i32
    %dma_wait3A_123 = arith.constant 0 : i32
    %dma_wait3A_124 = tpu.memref_slice %arg4[%dma_wait3A_122, %dma_wait3A_123] : memref<3276800x128xf32, #tpu.memory_space<hbm>> -> memref<512x64xf32, #tpu.memory_space<hbm>>
    %dma_wait3A_125 = arith.constant 0 : i32
    %dma_wait3A_126 = arith.constant 0 : i32
    %dma_wait3A_127 = tpu.memref_slice %arg6[%dma_wait3A_111, %dma_wait3A_125, %dma_wait3A_126] : memref<3x512x64xf32, #tpu.memory_space<vmem>> -> memref<1x512x64xf32, #tpu.memory_space<vmem>>
    %dma_wait3A_128 = tpu.memref_squeeze %dma_wait3A_127 : memref<1x512x64xf32, #tpu.memory_space<vmem>> -> memref<512x64xf32, #tpu.memory_space<vmem>>
    tpu.wait_dma2 semaphore(%dma_wait3A_121 : memref<!tpu.dma_semaphore, #tpu.memory_space<semaphore_mem>>) src(%dma_wait3A_128 : memref<512x64xf32, #tpu.memory_space<vmem>>) dst(%dma_wait3A_124 : memref<512x64xf32, #tpu.memory_space<hbm>>)
    return
  }
}

</mosaic_0001>

<sc_bundles>
// kernel: _sc_embed.4.cloned.1.call-start
scs
__scs_entry_jumppad:
0x0: {  	(pc) =	sbr.rel $0x88, $3  }
0x1: {  	(tag) =	ssettag $0x0;
	lr =	simm.s32 $0x1  }
0x2: {  	[smem:$0x3F9D] =	sst lr;
	_ =	strace $0xD0000000  }
0x3: {  	_ = 	snop  }
0x4: {  	_ = 	snop  }
0x5: {  	_ = 	snop  }
0x6: {  	_ = 	snop  }
0x7: {  	_ = 	snop  }
__scs_overlays_trampoline_lowered:
0x8: {  	[smem:$0x3FAC] =	sst s0  }
0x9: {  	[smem:$0x3FAD] =	sst s1  }
0xa: {  	[smem:$0x3FAE] =	sst s2  }
0xb: {  	[smem:$0x3FAF] =	sst s3  }
0xc: {  	[smem:$0x3FB0] =	sst s4  }
0xd: {  	[smem:$0x3FB1] =	sst s5  }
0xe: {  	[smem:$0x3FB2] =	sst s6  }
0xf: {  	[smem:$0x3FB3] =	sst s7  }
0x10: {  	[smem:$0x3FB4] =	sst s8  }
0x11: {  	[smem:$0x3FB5] =	sst s9;
	s0 =	simm.s32 @!p0 $0x0  }
0x12: {  	s1 =	sld [smem:$0x3F9B];
	s0 =	simm.s32 @p0 $0x1  }
0x13: {  	[smem:$0x3FB6] =	sst s0;
	s0 =	simm.s32 @!p1 $0x0  }
0x14: {  	s2 =	sld [smem:$0x3F9A];
	s0 =	simm.s32 @p1 $0x1  }
0x15: {  	[smem:$0x3FB7] =	sst s0;
	s0 =	simm.s32 @!p2 $0x0  }
0x16: {  	s3 =	sld [smem:$0x3FDB];
	s0 =	simm.s32 @p2 $0x1  }
0x17: {  	s4 =	simm.s32 $0x1BF5;
	[smem:$0x3FB9] =	sst s0  }
0x18: {  	s0 =	sld [smem:$0x3F9C];
	_ =	swait.ge [sflag:s4], $0x0  }
0x19: {  	s7 =	sld [smem:$0x3F9D]  }
0x1a: {  	s8 =	sadd.s32 $0xFFFFE003, lr  }
0x1b: {  	s9 =	sadd.s32 $0xFFFFFEF7, lr;
	s5 =	simm.s32 $0xFFFFFFFF;
	p2 =	slt.u32 s8, $0xFFFFF086  }
0x1c: {  	p1 =	slt.u32 s9, $0xF7A;
	s5 =	simm.s32 @!p2 $0x0  }
0x1d: {  	s5 =	simm.s32 @p1 $0x1;
	p0 =	seq.s32 s7, s2  }
0x1e: {  	s7 =	smul.u32 @!p0 $0xF7A, s2;
	p2 =	seq.s32 @!p0 s5, $0x0  }
0x1f: {  	s9 =	smul.u32 $0xF7A, s1;
	s8 =	simm.s32 @!p0 $0x1BF5;
	p2 =	por !p2, p0  }
0x20: {  	[sflag:s8] =	ssyncset.s32 @!p0 $0xFFFFF086;
	s6 =	sadd.s32 @!p0 s3, s7;
	s7 =	simm.s32 @!p0 $0x108  }
0x21: {  	s3 =	sadd.s32 s3, s9;
	s6 =	sadd.s32 @!p0 $0x88, s6;
	s7 =	simm.s32 @p2 $0x1082  }
0x22: {  	[simem:s7], [sflag:s8] =	dma.local @!p0 [hbm:s6], $0xF7A  }
0x23: {  	s9 =	sor.u32 $0xD0000000, s2;
	s6 =	simm.s32 $0x108;
	_ =	swait.ge @!p0 [sflag:s8], $0x0  }
0x24: {  	s3 =	sadd.s32 $0x88, s3;
	s6 =	simm.s32 @!p1 $0x1082;
	[sflag:s4] =	ssyncset.s32 $0xFFFFF086  }
0x25: {  	[simem:s6], [sflag:s4] =	dma.local [hbm:s3], $0xF7A  }
0x26: {  	[smem:$0x3F9D] =	sst s1;
	(tag) =	ssettag s2;
	_ =	strace s9  }
0x27: {  	s1 =	sld [smem:$0x3FAD]  }
0x28: {  	s2 =	sld [smem:$0x3FAE]  }
0x29: {  	s4 =	sld [smem:$0x3FB0]  }
0x2a: {  	p0 =	seq.s32 s5, $0x0;
	s5 =	sld [smem:$0x3FB1]  }
0x2b: {  	s6 =	sld [smem:$0x3FB2]  }
0x2c: {  	s7 =	sld [smem:$0x3FB3]  }
0x2d: {  	s3 =	simm.s32 $0x108;
	s8 =	sld [smem:$0x3FB4]  }
0x2e: {  	s3 =	simm.s32 @!p0 $0x1082;
	s9 =	sld [smem:$0x3FB5]  }
0x2f: {  	lr =	sadd.s32 s0, s3;
	s0 =	sld [smem:$0x3FAC]  }
0x30: {  	s3 =	sld [smem:$0x3FAF]  }
0x31: {  	[smem:$0x3FB8] =	sst s10  }
0x32: {  	s10 =	sld [smem:$0x3FB6];
	_ =	sdelay $0x3  }
0x33: {  	p0 =	seq.s32 s10, $0x1;
	s10 =	sld [smem:$0x3FB8];
	_ =	sdelay $0x3  }
0x34: {  	[smem:$0x3FB8] =	sst s10  }
0x35: {  	s10 =	sld [smem:$0x3FB7];
	_ =	sdelay $0x3  }
0x36: {  	p1 =	seq.s32 s10, $0x1;
	s10 =	sld [smem:$0x3FB8];
	_ =	sdelay $0x3  }
0x37: {  	[smem:$0x3FB8] =	sst s10  }
0x38: {  	s10 =	sld [smem:$0x3FB9]  }
0x39: {  	_ = 	snop;
	(pc) =	sbr.ind lr, $3  }
0x3a: {  	_ = 	snop  }
0x3b: {  	_ = 	snop  }
0x3c: {  	p2 =	seq.s32 s10, $0x1;
	s10 =	sld [smem:$0x3FB8]  }
0x3d: {  	_ =	shalt  }
0x3e: {  	_ =	shalt  }
0x3f: {  	_ =	shalt  }
0x40: {  	_ =	shalt  }
0x41: {  	_ =	shalt  }
0x42: {  	_ =	shalt  }
0x43: {  	_ =	shalt  }
0x44: {  	_ =	shalt  }
0x45: {  	_ =	shalt  }
0x46: {  	_ =	shalt  }
0x47: {  	_ =	shalt  }
0x48: {  	_ =	shalt  }
0x49: {  	_ =	shalt  }
0x4a: {  	_ =	shalt  }
0x4b: {  	_ =	shalt  }
0x4c: {  	_ =	shalt  }
0x4d: {  	_ =	shalt  }
0x4e: {  	_ =	shalt  }
0x4f: {  	_ =	shalt  }
0x50: {  	_ =	shalt  }
0x51: {  	_ =	shalt  }
0x52: {  	_ =	shalt  }
0x53: {  	_ =	shalt  }
0x54: {  	_ =	shalt  }
0x55: {  	_ =	shalt  }
0x56: {  	_ =	shalt  }
0x57: {  	_ =	shalt  }
0x58: {  	_ =	shalt  }
0x59: {  	_ =	shalt  }
0x5a: {  	_ =	shalt  }
0x5b: {  	_ =	shalt  }
0x5c: {  	_ =	shalt  }
0x5d: {  	_ =	shalt  }
0x5e: {  	_ =	shalt  }
0x5f: {  	_ =	shalt  }
0x60: {  	_ =	shalt  }
0x61: {  	_ =	shalt  }
0x62: {  	_ =	shalt  }
0x63: {  	_ =	shalt  }
0x64: {  	_ =	shalt  }
0x65: {  	_ =	shalt  }
0x66: {  	_ =	shalt  }
0x67: {  	_ =	shalt  }
0x68: {  	_ =	shalt  }
0x69: {  	_ =	shalt  }
0x6a: {  	_ =	shalt  }
0x6b: {  	_ =	shalt  }
0x6c: {  	_ =	shalt  }
0x6d: {  	_ =	shalt  }
0x6e: {  	_ =	shalt  }
0x6f: {  	_ =	shalt  }
0x70: {  	_ =	shalt  }
0x71: {  	_ =	shalt  }
0x72: {  	_ =	shalt  }
0x73: {  	_ =	shalt  }
0x74: {  	_ =	shalt  }
0x75: {  	_ =	shalt  }
0x76: {  	_ =	shalt  }
0x77: {  	_ =	shalt  }
0x78: {  	_ =	shalt  }
0x79: {  	_ =	shalt  }
0x7a: {  	_ =	shalt  }
0x7b: {  	_ =	shalt  }
0x7c: {  	_ =	shalt  }
0x7d: {  	_ =	shalt  }
0x7e: {  	_ =	shalt  }
0x7f: {  	_ =	shalt  }
0x80: {  	_ =	shalt  }
0x81: {  	_ =	shalt  }
0x82: {  	_ =	shalt  }
0x83: {  	_ =	shalt  }
0x84: {  	_ =	shalt  }
0x85: {  	_ =	shalt  }
0x86: {  	_ =	shalt  }
0x87: {  	_ =	shalt  }
.Lfunc_end0:
.L_simem_size_0:
called_computation_lowered:
.L_overlay_start_0:
0x88: {  	s2 =	sld [smem:$0x3FD9]  }
0x89: {  	s3 =	sld [smem:$0x3FFE];
	_ =	sdelay $0x1  }
0x8a: {  	s1 =	srdreg.scid  }
0x8b: {  	s0 =	sand.u32 $0x1, s1  }
0x8c: {  	s15 =	sshll.u32 s0, $0xA;
	s2 =	sadd.s32 s3, s2  }
0x8d: {  	s2 =	sadd.s32 s2, s15  }
0x8e: {  	[smem:$0x3FC4] =	sst s2  }
0x8f: {  	_ = 	snop  }
0x90: {  	s16 =	sld [smem:$0x3FD0];
	_ =	sdelay $0x2  }
0x91: {  	s4 =	simm.s32 $0xB;
	s5 =	simm.s32 $0x10;
	s2 =	sld [smem:$0x3FC8]  }
0x92: {  	[smem:s5], [sflag:s4] =	dma.local [hbm:s16], $0x1  }
0x93: {  	_ =	swait.eq [sflag:s4], $0x1  }
0x94: {  	[sflag:s4] =	ssyncset.done $0x0  }
0x95: {  	[sflag:s4] =	ssyncadd.s32 $0xFFFFFFFF  }
0x96: {  	s17 =	sld [smem:$0x11];
	(tm) =	ssettm $0x1  }
0x97: {  	s18 =	sld [smem:$0x3FFB];
	_ =	sdelay $0x3  }
0x98: {  	_ =	strace s18  }
0x99: {  	s3 =	sld [smem:$0x3FFC];
	_ =	sdelay $0x3  }
0x9a: {  	_ =	strace s3  }
0x9b: {  	s3 =	sld [smem:$0x3FFD];
	_ =	sdelay $0x3  }
0x9c: {  	_ =	strace s3  }
0x9d: {  	_ =	strace $0x8FFFFFFF  }
0x9e: {  	s19 =	sld [smem:$0x3FDB];
	_ =	sdelay $0x1  }
0x9f: {  	s20 =	simm.s32 $_scs_section_size  }
0xa0: {  	s6 =	simm.s32 $_size__tile_overlayer_lowered;
	s7 =	simm.s32 $_tile_overlayer_lowered  }
0xa1: {  	s8 =	simm.s32 $0x1BFF;
	s21 =	sshll.u32 s7, $0x1;
	s5 =	sadd.s32 s20, s19  }
0xa2: {  	s22 =	simm.s32 $0x0;
	s6 =	sshll.u32 s6, $0x1;
	s7 =	sadd.s32 s21, s5  }
0xa3: {  	[timem:s22], [sflag:s8] =	dma.local [hbm:s7], s6  }
0xa4: {  	_ =	swait.ge [sflag:s8], s6  }
0xa5: {  	s6 =	ssub.s32 $0x0, s6;
	[sflag:s8] =	ssyncset.done $0x0  }
0xa6: {  	[sflag:s8] =	ssyncadd.s32 s6;
	_ =	sdelay $0x1  }
0xa7: {  	s23 =	simm.s32 $0x1B8B  }
0xa8: {  	_ =	swait.ge [sflag:s23], $0x1  }
0xa9: {  	[sflag:s23] =	ssyncset.done $0x0  }
0xaa: {  	[sflag:s23] =	ssyncadd.s32 $0xFFFFFFFF  }
0xab: {  	s6 =	sld [smem:$0x0]  }
0xac: {  	s7 =	sand.u32 $0xFFFFFFFE, s1  }
0xad: {  	p0 =	sne.s32 s1, s7  }
0xae: {  	s7 =	sshll.u32 @p0 s7, $0xE  }
0xaf: {  	s7 =	sadd.s32 @p0 $0x11B8D, s7;
	s8 =	sshll.u32 @p0 s6, $0x11  }
0xb0: {  	s7 =	sor.u32 @p0 s8, s7  }
0xb1: {  	[sflag:s7] =	ssyncadd.remote.s32 @p0 $0x1;
	_ =	sdelay $0x1  }
0xb2: {  	s7 =	simm.s32 @p0 $0x1B8D  }
0xb3: {  	_ =	swait.eq @p0 [sflag:s7], $0x1  }
0xb4: {  	[sflag:s7] =	ssyncadd.s32 @p0 $0xFFFFFFFF  }
0xb5: {  	s8 =	sshll.u32 @!p0 s1, $0xE  }
0xb6: {  	s8 =	sor.u32 @!p0 $0x4000, s8;
	s7 =	simm.s32 @!p0 $0x1B8D  }
0xb7: {  	s6 =	sshll.u32 @!p0 s6, $0x11;
	s8 =	sadd.s32 @!p0 $0x11B8D, s8;
	_ =	swait.eq @!p0 [sflag:s7], $0x1  }
0xb8: {  	s6 =	sor.u32 @!p0 s6, s8;
	[sflag:s7] =	ssyncadd.s32 @!p0 $0xFFFFFFFF  }
0xb9: {  	s25 =	simm.s32 $0x1B8E;
	s24 =	sld [smem:$0x3FFE];
	[sflag:s6] =	ssyncadd.remote.s32 @!p0 $0x1  }
0xba: {  	s26 =	simm.s32 $execute0_lowered;
	[smem:$0x3FD2] =	sst s25  }
0xbb: {  	s7 =	sshll.u32 s26, $0x1;
	_ =	strace $0x80000049;
	[dreg:$0x1] =	wrdreg $0xFFFFFFFF  }
0xbc: {  	s28 =	simm.s32 $_size_execute0_lowered;
	s5 =	sadd.s32 s5, s7;
	[dreg:$0x0] =	wrdreg $0x0  }
0xbd: {  	s7 =	sshll.u32 s28, $0x1;
	[dreg:$0x2] =	wrdreg s5  }
0xbe: {  	[dreg:$0x3] =	wrdreg s7  }
0xbf: {  	[dreg:$0x4] =	wrdreg $0xC0  }
0xc0: {  	_ =	task [dreg:s22], $0x5FFFF  }
0xc1: {  	[dreg:$0x1] =	wrdreg $0xFFFFFFFF  }
0xc2: {  	[dreg:$0x0] =	wrdreg $0x60  }
0xc3: {  	[dreg:$0x2] =	wrdreg s2  }
0xc4: {  	[dreg:$0x3] =	wrdreg s24  }
0xc5: {  	[dreg:$0x4] =	wrdreg s17  }
0xc6: {  	[dreg:$0x5] =	wrdreg $0x9  }
0xc7: {  	_ =	task.clear_ibuf [dreg:s22], $0x6FFFF;
	_ =	strace $0x90000049  }
0xc8: {  	s29 =	simm.s32 $0x9;
	_ =	strace $0x8000004B  }
0xc9: {  	_ =	swait.ge [sflag:s29], $0x1  }
0xca: {  	[sflag:s29] =	ssyncadd.s32 $0xFFFFFFFF  }
0xcb: {  	_ =	strace $0x9000004B  }
0xcc: {  	_ =	sfence  }
0xcd: {  	s30 =	sld [smem:$0x0];
	_ =	sdelay $0x2  }
0xce: {  	s31 =	sshll.u32 s1, $0xD;
	s1 =	sshrl.u32 s1, $0x2  }
0xcf: {  	s4 =	sand.u32 $0x4000, s31;
	s1 =	sadd.s32 s1, s30  }
0xd0: {  	s0 =	sor.u32 s4, s0;
	s1 =	sshll.u32 s1, $0x11  }
0xd1: {  	s0 =	sor.u32 s1, s0  }
0xd2: {  	s0 =	sadd.s32 $0x8F2B, s0  }
0xd3: {  	[sflag:s0] =	ssyncadd.remote.s32 $0x1  }
0xd4: {  	_ =	sfence.sel $0xFFFF  }
0xd5: {  	[dreg:$0x0] =	wrdreg $0xFFFFFFFF;
	(pc) =	sbr.abs _section_cstart, $3  }
0xd6: {  	[dreg:$0x1] =	wrdreg $0xFFFFFFFF  }
0xd7: {  	_ =	task.clear_ibuf [dreg:s22], $0x2FFFF;
	_ =	strace $0x9FFFFFFF  }
0xd8: {  	(tm) =	ssettm $0x7FFFFFFF  }
0xd9: {  	_ =	shalt  }
tec
execute0_lowered:
.L_overlay_start_1:
0x0: {  	(tag) =	ssettag $0x1  }
0x1: {  	s8 =	rddreg [dreg:$0x0]  }
0x2: {  	s1 =	srdreg.scid;
	s3 =	rddreg [dreg:$0x1]  }
0x3: {  	s0 =	stileid.u32;
	s9 =	rddreg [dreg:$0x2]  }
0x4: {  	s2 =	simm.s32 $0x0;
	s14 =	simm.s32 $0x2;
	s15 =	simm.s32 $0x8600  }
0x5: {  	s16 =	simm.s32 $0x40;
	s17 =	simm.s32 $0x80;
	s18 =	simm.s32 $0x8  }
0x6: {  	s19 =	simm.s32 $0x0;
	s7 =	sand.u32 $0x1, s1;
	s6 =	smul.u32 $0x190, s0  }
0x7: {  	s31 =	sshll.u32 s0, $0x1;
	s1 =	rddreg [dreg:$0x3];
	s12 =	smul.u32 $0x320000, s0  }
0x8: {  	[smem:$0x7FF] =	sst s2;
	s3 =	sadd.s32 $0x7A1C00, s3;
	s11 =	smul.u32 $0xC8, s7  }
0x9: {  	s4 =	sor.u32 s7, s31;
	s5 =	ssub.s32 $0x2, s7;
	s13 =	smul.u32 $0x190000, s7  }
0xa: {  	_ =	strace $0x8000004A;
	s4 =	smul.u32 $0x3200, s4;
	s10 =	sshrl.u32 s5, $0x1  }
0xb: {  	s9 =	sadd.s32 s12, s9;
	s12 =	simm.s32 $0x1;
	s10 =	ssub.s32 s5, s10  }
0xc: {  	s11 =	sadd.s32 s11, s6;
	s9 =	sadd.s32 s13, s9;
	s13 =	simm.s32 $0x600  }
0xd: {  	s4 =	sadd.s32 s8, s4;
	s11 =	sshll.u32 s11, $0x6;
	s7 =	smax.u32 s10, $0x1  }
0xe: {  	s10 =	simm.s32 $0x200;
	s5 =	sadd.s32 $0x40, s4;
	s8 =	sadd.s32 s11, s8  }
0xf: {  	s6 =	sadd.s32 $0x80, s4;
	s11 =	simm.s32 $0x400;
	s8 =	sadd.s32 $0xC0, s8  }
.LBB2_1:
0x10: {  	[tilespmem:s2], [sflag:$0x1] =	stream.linear.gather [hbm4b:s4+s2], $0x200, $0x38;
	[tilespmem:$0x18600] =	vst v63  }
0x11: {  	_ = 	snop  }
0x12: {  	[tilespmem:s10], [sflag:$0x2] =	stream.linear.gather [hbm4b:s5+s2], $0x200, $0x38;
	[tilespmem:$0x18600] =	vst v63  }
0x13: {  	_ = 	snop  }
0x14: {  	[tilespmem:s11], [sflag:$0x3] =	stream.linear.gather [hbm4b:s6+s2], $0x200, $0x38;
	[tilespmem:$0x18600] =	vst v63  }
0x15: {  	_ =	swait.ge [sflag:s12], $0x200  }
0x16: {  	[sflag:s12] =	ssyncset.done $0x0  }
0x17: {  	[sflag:s12] =	ssyncadd.s32 $0xFFFFFE00  }
0x18: {  	[tilespmem:s13], [sflag:$0x4] =	stream.indirect.gather [hbm4b:s3+s10], $0x40, s2, s10, $0xb8;
	[tilespmem:$0x18600] =	vst v63  }
0x19: {  	_ =	swait.ge [sflag:s14], $0x200  }
0x1a: {  	s20 =	smov.u32 s9;
	[sflag:s14] =	ssyncset.done $0x0  }
0x1b: {  	s21 =	smov.u32 s8;
	s22 =	simm.s32 $0x0;
	[sflag:s14] =	ssyncadd.s32 $0xFFFFFE00  }
0x1c: {  	[tilespmem:s15], [sflag:$0x5] =	stream.indirect.gather [hbm4b:s3+s10], $0x40, s10, s10, $0xb8;
	[tilespmem:$0x18600] =	vst v63  }
.LBB2_2:
0x1d: {  	s23 =	sadd.s32 $0x2, s22  }
0x1e: {  	s24 =	sand.u32 $0xFF, s23  }
0x1f: {  	s24 =	smul.u32 $0xAB, s24;
	_ =	sdelay $0x1  }
0x20: {  	s24 =	sshrl.u32 s24, $0x9  }
0x21: {  	s24 =	smul.u32 $0x3, s24;
	_ =	sdelay $0x1  }
0x22: {  	s23 =	ssub.s32 s23, s24  }
0x23: {  	p0 =	seq.s32 s22, $0x0;
	s23 =	sand.u32 $0xFF, s23  }
0x24: {  	s24 =	sadd.s32 @!p0 $0x7, s23  }
0x25: {  	p1 =	sgt.u32 @!p0 s22, $0xC5;
	_ =	swait.ge @!p0 [sflag:s24], $0x8000  }
0x26: {  	p1 =	por p0, !p1;
	[sflag:s24] =	ssyncset.done @!p0 $0x0  }
0x27: {  	[sflag:s24] =	ssyncadd.s32 @!p0 $0xFFFF8000;
	s24 =	sadd.s32 @p1 $0x1, s23  }
0x28: {  	s28 =	smul.u32 $0xAB, s22;
	_ =	swait.ge @p1 [sflag:s24], $0x200  }
0x29: {  	s25 =	sshll.u32 @p1 s23, $0x9;
	s26 =	sshll.u32 @p1 s23, $0xF;
	[sflag:s24] =	ssyncset.done @p1 $0x0  }
0x2a: {  	s23 =	sadd.s32 @p1 $0x4, s23;
	[sflag:s24] =	ssyncadd.s32 @p1 $0xFFFFFE00;
	s24 =	sor.u32 @p1 $0x600, s26  }
0x2b: {  	[tilespmem:s24], [sflag:s23] =	stream.indirect.gather @p1 [hbm4b:s3+s10], $0x40, s25, s10, $0xb8;
	[tilespmem:$0x18600] =	vst v63  }
0x2c: {  	s23 =	sshrl.u32 s28, $0x9  }
0x2d: {  	s23 =	sand.u32 $0x7F, s23  }
0x2e: {  	s23 =	smul.u32 $0x3, s23;
	_ =	sdelay $0x1  }
0x2f: {  	s23 =	ssub.s32 s22, s23  }
0x30: {  	s23 =	sand.u32 $0xFF, s23  }
0x31: {  	s29 =	sadd.s32 $0x4, s23  }
0x32: {  	p0 =	sgt.u32 s22, $0xC4;
	_ =	swait.ge [sflag:s29], $0x8000  }
0x33: {  	s28 =	simm.s32 @!p0 $0x0;
	s22 =	sadd.s32 $0x1, s22;
	[sflag:s29] =	ssyncset.done $0x0  }
0x34: {  	s24 =	sshll.u32 @!p0 s23, $0x9;
	s26 =	sadd.s32 @!p0 $0x1, s23;
	[sflag:s29] =	ssyncadd.s32 $0xFFFF8000  }
0x35: {  	[tilespmem:s24], [sflag:s26] =	stream.linear.gather @!p0 [hbm4b:s21+s28], $0x200, $0x38;
	[tilespmem:$0x18600] =	vst v63  }
0x36: {  	p0 =	sne.s32 s22, $0xC8  }
.Ltmp0:
0x37: {  	_ = 	snop;
	(pc) =	sbr.rel @p0 .LBB2_2-.Ltmp0, $4  }
0x38: {  	s30 =	sshll.u32 s23, $0xF  }
0x39: {  	s23 =	sadd.s32 $0x7, s23;
	s31 =	sor.u32 $0x600, s30  }
0x3a: {  	[hbm4b:s20+s16] =	stream.strided.scatter [tilespmem:s31], [sflag:s23], $0x8000, s17, s16, $0x38;
	[tilespmem:$0x18600] =	vst v63  }
0x3b: {  	s21 =	sadd.s32 $0x40, s21;
	s20 =	sadd.s32 $0x2000, s20  }
0x3c: {  	s19 =	sadd.s32 $0x1, s19  }
0x3d: {  	p0 =	sne.s32 s19, s7  }
.Ltmp1:
0x3e: {  	_ = 	snop;
	(pc) =	sbr.rel @p0 .LBB2_1-.Ltmp1, $4  }
0x3f: {  	_ = 	snop  }
0x40: {  	_ =	swait.ge [sflag:s18], $0x8000  }
0x41: {  	[sflag:s18] =	ssyncset.done $0x0  }
0x42: {  	[sflag:s18] =	ssyncadd.s32 $0xFFFF8000  }
0x43: {  	_ =	sfence.sel $0x180000  }
0x44: {  	[bflag:$0x0] =	sbarrier.arrive $0xFFFF  }
0x45: {  	p0 =	sne.s32 s0, $0x0;
	_ =	strace $0x9000004A  }
0x46: {  	s0 =	sadd.s32 @!p0 $0x100000, s1;
	[bflag:$0x2] =	sbarrier.arrive $0xFFFF  }
0x47: {  	[sflag:s0] =	ssyncadd.tile.s32 @!p0 $0x1;
	_ =	shalt  }
.Lfunc_end2:
_tile_overlayer_lowered:
.L_overlay_start_2:
0x48: {  	(tag) =	ssettag $0x2  }
0x49: {  	s0 =	rddreg [dreg:$0x0];
	s2 =	stileid.u32  }
0x4a: {  	s1 =	rddreg [dreg:$0x1];
	p0 =	sne.s32 s2, $0x0  }
0x4b: {  	s3 =	rddreg [dreg:$0x2];
	[bflag:$0x3] =	sbarrier.arrive $0xFFFF;
	s2 =	simm.s32 @!p0 $0x1C0A  }
0x4c: {  	[timem:s3], [sflag:s2] =	dma.local @!p0 [hbm:s0], s1  }
0x4d: {  	s0 =	simm.s32 @!p0 $0xA  }
0x4e: {  	_ =	swait.ge @!p0 [sflag:s0], s1  }
0x4f: {  	s1 =	ssub.s32 @!p0 $0x0, s1;
	[sflag:s0] =	ssyncset.done @!p0 $0x0  }
0x50: {  	[sflag:s0] =	ssyncadd.s32 @!p0 s1  }
0x51: {  	[bflag:$0x3] =	sbarrier.arrive $0xFFFF  }
0x52: {  	_ =	shalt  }

// kernel: _sc_embed.7.cloned.1.call-start
scs
__scs_entry_jumppad:
0x0: {  	(pc) =	sbr.rel $0x88, $3  }
0x1: {  	(tag) =	ssettag $0x0;
	lr =	simm.s32 $0x1  }
0x2: {  	[smem:$0x3F9D] =	sst lr;
	_ =	strace $0xD0000000  }
0x3: {  	_ = 	snop  }
0x4: {  	_ = 	snop  }
0x5: {  	_ = 	snop  }
0x6: {  	_ = 	snop  }
0x7: {  	_ = 	snop  }
__scs_overlays_trampoline_lowered:
0x8: {  	[smem:$0x3FAC] =	sst s0  }
0x9: {  	[smem:$0x3FAD] =	sst s1  }
0xa: {  	[smem:$0x3FAE] =	sst s2  }
0xb: {  	[smem:$0x3FAF] =	sst s3  }
0xc: {  	[smem:$0x3FB0] =	sst s4  }
0xd: {  	[smem:$0x3FB1] =	sst s5  }
0xe: {  	[smem:$0x3FB2] =	sst s6  }
0xf: {  	[smem:$0x3FB3] =	sst s7  }
0x10: {  	[smem:$0x3FB4] =	sst s8  }
0x11: {  	[smem:$0x3FB5] =	sst s9;
	s0 =	simm.s32 @!p0 $0x0  }
0x12: {  	s1 =	sld [smem:$0x3F9B];
	s0 =	simm.s32 @p0 $0x1  }
0x13: {  	[smem:$0x3FB6] =	sst s0;
	s0 =	simm.s32 @!p1 $0x0  }
0x14: {  	s2 =	sld [smem:$0x3F9A];
	s0 =	simm.s32 @p1 $0x1  }
0x15: {  	[smem:$0x3FB7] =	sst s0;
	s0 =	simm.s32 @!p2 $0x0  }
0x16: {  	s3 =	sld [smem:$0x3FDB];
	s0 =	simm.s32 @p2 $0x1  }
0x17: {  	s4 =	simm.s32 $0x1BF5;
	[smem:$0x3FB9] =	sst s0  }
0x18: {  	s0 =	sld [smem:$0x3F9C];
	_ =	swait.ge [sflag:s4], $0x0  }
0x19: {  	s7 =	sld [smem:$0x3F9D]  }
0x1a: {  	s8 =	sadd.s32 $0xFFFFE003, lr  }
0x1b: {  	s9 =	sadd.s32 $0xFFFFFEF7, lr;
	s5 =	simm.s32 $0xFFFFFFFF;
	p2 =	slt.u32 s8, $0xFFFFF086  }
0x1c: {  	p1 =	slt.u32 s9, $0xF7A;
	s5 =	simm.s32 @!p2 $0x0  }
0x1d: {  	s5 =	simm.s32 @p1 $0x1;
	p0 =	seq.s32 s7, s2  }
0x1e: {  	s7 =	smul.u32 @!p0 $0xF7A, s2;
	p2 =	seq.s32 @!p0 s5, $0x0  }
0x1f: {  	s9 =	smul.u32 $0xF7A, s1;
	s8 =	simm.s32 @!p0 $0x1BF5;
	p2 =	por !p2, p0  }
0x20: {  	[sflag:s8] =	ssyncset.s32 @!p0 $0xFFFFF086;
	s6 =	sadd.s32 @!p0 s3, s7;
	s7 =	simm.s32 @!p0 $0x108  }
0x21: {  	s3 =	sadd.s32 s3, s9;
	s6 =	sadd.s32 @!p0 $0x88, s6;
	s7 =	simm.s32 @p2 $0x1082  }
0x22: {  	[simem:s7], [sflag:s8] =	dma.local @!p0 [hbm:s6], $0xF7A  }
0x23: {  	s9 =	sor.u32 $0xD0000000, s2;
	s6 =	simm.s32 $0x108;
	_ =	swait.ge @!p0 [sflag:s8], $0x0  }
0x24: {  	s3 =	sadd.s32 $0x88, s3;
	s6 =	simm.s32 @!p1 $0x1082;
	[sflag:s4] =	ssyncset.s32 $0xFFFFF086  }
0x25: {  	[simem:s6], [sflag:s4] =	dma.local [hbm:s3], $0xF7A  }
0x26: {  	[smem:$0x3F9D] =	sst s1;
	(tag) =	ssettag s2;
	_ =	strace s9  }
0x27: {  	s1 =	sld [smem:$0x3FAD]  }
0x28: {  	s2 =	sld [smem:$0x3FAE]  }
0x29: {  	s4 =	sld [smem:$0x3FB0]  }
0x2a: {  	p0 =	seq.s32 s5, $0x0;
	s5 =	sld [smem:$0x3FB1]  }
0x2b: {  	s6 =	sld [smem:$0x3FB2]  }
0x2c: {  	s7 =	sld [smem:$0x3FB3]  }
0x2d: {  	s3 =	simm.s32 $0x108;
	s8 =	sld [smem:$0x3FB4]  }
0x2e: {  	s3 =	simm.s32 @!p0 $0x1082;
	s9 =	sld [smem:$0x3FB5]  }
0x2f: {  	lr =	sadd.s32 s0, s3;
	s0 =	sld [smem:$0x3FAC]  }
0x30: {  	s3 =	sld [smem:$0x3FAF]  }
0x31: {  	[smem:$0x3FB8] =	sst s10  }
0x32: {  	s10 =	sld [smem:$0x3FB6];
	_ =	sdelay $0x3  }
0x33: {  	p0 =	seq.s32 s10, $0x1;
	s10 =	sld [smem:$0x3FB8];
	_ =	sdelay $0x3  }
0x34: {  	[smem:$0x3FB8] =	sst s10  }
0x35: {  	s10 =	sld [smem:$0x3FB7];
	_ =	sdelay $0x3  }
0x36: {  	p1 =	seq.s32 s10, $0x1;
	s10 =	sld [smem:$0x3FB8];
	_ =	sdelay $0x3  }
0x37: {  	[smem:$0x3FB8] =	sst s10  }
0x38: {  	s10 =	sld [smem:$0x3FB9]  }
0x39: {  	_ = 	snop;
	(pc) =	sbr.ind lr, $3  }
0x3a: {  	_ = 	snop  }
0x3b: {  	_ = 	snop  }
0x3c: {  	p2 =	seq.s32 s10, $0x1;
	s10 =	sld [smem:$0x3FB8]  }
0x3d: {  	_ =	shalt  }
0x3e: {  	_ =	shalt  }
0x3f: {  	_ =	shalt  }
0x40: {  	_ =	shalt  }
0x41: {  	_ =	shalt  }
0x42: {  	_ =	shalt  }
0x43: {  	_ =	shalt  }
0x44: {  	_ =	shalt  }
0x45: {  	_ =	shalt  }
0x46: {  	_ =	shalt  }
0x47: {  	_ =	shalt  }
0x48: {  	_ =	shalt  }
0x49: {  	_ =	shalt  }
0x4a: {  	_ =	shalt  }
0x4b: {  	_ =	shalt  }
0x4c: {  	_ =	shalt  }
0x4d: {  	_ =	shalt  }
0x4e: {  	_ =	shalt  }
0x4f: {  	_ =	shalt  }
0x50: {  	_ =	shalt  }
0x51: {  	_ =	shalt  }
0x52: {  	_ =	shalt  }
0x53: {  	_ =	shalt  }
0x54: {  	_ =	shalt  }
0x55: {  	_ =	shalt  }
0x56: {  	_ =	shalt  }
0x57: {  	_ =	shalt  }
0x58: {  	_ =	shalt  }
0x59: {  	_ =	shalt  }
0x5a: {  	_ =	shalt  }
0x5b: {  	_ =	shalt  }
0x5c: {  	_ =	shalt  }
0x5d: {  	_ =	shalt  }
0x5e: {  	_ =	shalt  }
0x5f: {  	_ =	shalt  }
0x60: {  	_ =	shalt  }
0x61: {  	_ =	shalt  }
0x62: {  	_ =	shalt  }
0x63: {  	_ =	shalt  }
0x64: {  	_ =	shalt  }
0x65: {  	_ =	shalt  }
0x66: {  	_ =	shalt  }
0x67: {  	_ =	shalt  }
0x68: {  	_ =	shalt  }
0x69: {  	_ =	shalt  }
0x6a: {  	_ =	shalt  }
0x6b: {  	_ =	shalt  }
0x6c: {  	_ =	shalt  }
0x6d: {  	_ =	shalt  }
0x6e: {  	_ =	shalt  }
0x6f: {  	_ =	shalt  }
0x70: {  	_ =	shalt  }
0x71: {  	_ =	shalt  }
0x72: {  	_ =	shalt  }
0x73: {  	_ =	shalt  }
0x74: {  	_ =	shalt  }
0x75: {  	_ =	shalt  }
0x76: {  	_ =	shalt  }
0x77: {  	_ =	shalt  }
0x78: {  	_ =	shalt  }
0x79: {  	_ =	shalt  }
0x7a: {  	_ =	shalt  }
0x7b: {  	_ =	shalt  }
0x7c: {  	_ =	shalt  }
0x7d: {  	_ =	shalt  }
0x7e: {  	_ =	shalt  }
0x7f: {  	_ =	shalt  }
0x80: {  	_ =	shalt  }
0x81: {  	_ =	shalt  }
0x82: {  	_ =	shalt  }
0x83: {  	_ =	shalt  }
0x84: {  	_ =	shalt  }
0x85: {  	_ =	shalt  }
0x86: {  	_ =	shalt  }
0x87: {  	_ =	shalt  }
.Lfunc_end0:
.L_simem_size_0:
called_computation.1_lowered:
.L_overlay_start_0:
0x88: {  	s2 =	sld [smem:$0x3FD9]  }
0x89: {  	s3 =	sld [smem:$0x3FFE];
	_ =	sdelay $0x1  }
0x8a: {  	s1 =	srdreg.scid  }
0x8b: {  	s0 =	sand.u32 $0x1, s1  }
0x8c: {  	s14 =	sshll.u32 s0, $0xA;
	s2 =	sadd.s32 s3, s2  }
0x8d: {  	s2 =	sadd.s32 s2, s14  }
0x8e: {  	[smem:$0x3FC4] =	sst s2  }
0x8f: {  	_ = 	snop  }
0x90: {  	s2 =	sld [smem:$0x3FD0];
	_ =	sdelay $0x2  }
0x91: {  	s4 =	simm.s32 $0xB;
	s5 =	simm.s32 $0x10;
	s15 =	sld [smem:$0x3FC9]  }
0x92: {  	[smem:s5], [sflag:s4] =	dma.local [hbm:s2], $0x1  }
0x93: {  	_ =	swait.eq [sflag:s4], $0x1  }
0x94: {  	[sflag:s4] =	ssyncset.done $0x0  }
0x95: {  	[sflag:s4] =	ssyncadd.s32 $0xFFFFFFFF  }
0x96: {  	s16 =	sld [smem:$0x10];
	(tm) =	ssettm $0x1  }
0x97: {  	s17 =	sld [smem:$0x3FFB];
	_ =	sdelay $0x3  }
0x98: {  	_ =	strace s17  }
0x99: {  	s4 =	sld [smem:$0x3FFC];
	_ =	sdelay $0x3  }
0x9a: {  	_ =	strace s4  }
0x9b: {  	s4 =	sld [smem:$0x3FFD];
	_ =	sdelay $0x3  }
0x9c: {  	_ =	strace s4  }
0x9d: {  	_ =	strace $0x8FFFFFFF  }
0x9e: {  	s18 =	sld [smem:$0x3FDB];
	_ =	sdelay $0x1  }
0x9f: {  	s19 =	simm.s32 $_scs_section_size  }
0xa0: {  	s6 =	simm.s32 $_size__tile_overlayer_lowered;
	s7 =	simm.s32 $_tile_overlayer_lowered  }
0xa1: {  	s22 =	simm.s32 $0x1BFF;
	s21 =	sshll.u32 s7, $0x1;
	s4 =	sadd.s32 s19, s18  }
0xa2: {  	s8 =	simm.s32 $0x0;
	s20 =	sshll.u32 s6, $0x1;
	s6 =	sadd.s32 s21, s4  }
0xa3: {  	[timem:s8], [sflag:s22] =	dma.local [hbm:s6], s20  }
0xa4: {  	_ =	swait.ge [sflag:s22], s20  }
0xa5: {  	s5 =	ssub.s32 $0x0, s20;
	[sflag:s22] =	ssyncset.done $0x0  }
0xa6: {  	[sflag:s22] =	ssyncadd.s32 s5;
	_ =	sdelay $0x1  }
0xa7: {  	s23 =	simm.s32 $0x1B8B  }
0xa8: {  	_ =	swait.ge [sflag:s23], $0x1  }
0xa9: {  	[sflag:s23] =	ssyncset.done $0x0  }
0xaa: {  	s25 =	simm.s32 $0x1B8E;
	s24 =	sld [smem:$0x3FFE];
	[sflag:s23] =	ssyncadd.s32 $0xFFFFFFFF  }
0xab: {  	s26 =	simm.s32 $execute0_lowered;
	[smem:$0x3FD2] =	sst s25  }
0xac: {  	s6 =	sshll.u32 s26, $0x1;
	_ =	strace $0x80000046;
	[dreg:$0x1] =	wrdreg $0xFFFFFFFF  }
0xad: {  	s28 =	simm.s32 $_size_execute0_lowered;
	s4 =	sadd.s32 s4, s6;
	[dreg:$0x0] =	wrdreg $0x0  }
0xae: {  	s6 =	sshll.u32 s28, $0x1;
	[dreg:$0x2] =	wrdreg s4  }
0xaf: {  	[dreg:$0x3] =	wrdreg s6  }
0xb0: {  	[dreg:$0x4] =	wrdreg $0xC0  }
0xb1: {  	_ =	task [dreg:s8], $0x5FFFF  }
0xb2: {  	[dreg:$0x1] =	wrdreg $0xFFFFFFFF  }
0xb3: {  	[dreg:$0x0] =	wrdreg $0x60  }
0xb4: {  	[dreg:$0x2] =	wrdreg s15  }
0xb5: {  	[dreg:$0x3] =	wrdreg s24  }
0xb6: {  	[dreg:$0x4] =	wrdreg s16  }
0xb7: {  	[dreg:$0x5] =	wrdreg $0xA  }
0xb8: {  	_ =	task.clear_ibuf [dreg:s8], $0x6FFFF;
	_ =	strace $0x90000046  }
0xb9: {  	s29 =	simm.s32 $0xA;
	_ =	strace $0x80000048  }
0xba: {  	_ =	swait.ge [sflag:s29], $0x1  }
0xbb: {  	[sflag:s29] =	ssyncadd.s32 $0xFFFFFFFF  }
0xbc: {  	_ =	strace $0x90000048  }
0xbd: {  	_ =	sfence  }
0xbe: {  	s30 =	sld [smem:$0x0];
	_ =	sdelay $0x2  }
0xbf: {  	s31 =	sshll.u32 s1, $0xD;
	s1 =	sshrl.u32 s1, $0x2  }
0xc0: {  	s3 =	sand.u32 $0x4000, s31;
	s1 =	sadd.s32 s1, s30  }
0xc1: {  	s0 =	sor.u32 s3, s0;
	s1 =	sshll.u32 s1, $0x11  }
0xc2: {  	s0 =	sor.u32 s1, s0  }
0xc3: {  	s0 =	sadd.s32 $0x8F2B, s0  }
0xc4: {  	[sflag:s0] =	ssyncadd.remote.s32 $0x1  }
0xc5: {  	_ =	sfence.sel $0xFFFF  }
0xc6: {  	[dreg:$0x0] =	wrdreg $0xFFFFFFFF;
	(pc) =	sbr.abs _section_cstart, $3  }
0xc7: {  	[dreg:$0x1] =	wrdreg $0xFFFFFFFF  }
0xc8: {  	_ =	task.clear_ibuf [dreg:s8], $0x2FFFF;
	_ =	strace $0x9FFFFFFF  }
0xc9: {  	(tm) =	ssettm $0x7FFFFFFF  }
tec
execute0_lowered:
.L_overlay_start_1:
0x0: {  	(tag) =	ssettag $0x1  }
0x1: {  	s3 =	rddreg [dreg:$0x0];
	s1 =	srdreg.scid  }
0x2: {  	s5 =	rddreg [dreg:$0x1];
	s0 =	stileid.u32;
	s14 =	sand.u32 $0x1, s1  }
0x3: {  	s15 =	rddreg [dreg:$0x2];
	s4 =	sshll.u32 s0, $0xA;
	s6 =	sshll.u32 s14, $0x9  }
0x4: {  	s2 =	simm.s32 $0x0;
	s1 =	rddreg [dreg:$0x3];
	s16 =	sor.u32 s6, s4  }
0x5: {  	[smem:$0x7FF] =	sst s2;
	s4 =	sshrl.u32 s16, $0x3  }
0x6: {  	_ =	strace $0x80000047;
	s4 =	sadd.s32 s3, s4;
	s3 =	simm.s32 $0x2  }
0x7: {  	[tilespmem:s2], [sflag:$0x2] =	stream.linear.gather [hbm4b:s4+s2], $0x200, $0x38;
	[tilespmem:$0x8200] =	vst v63  }
0x8: {  	_ =	swait.ge [sflag:s3], $0x200  }
0x9: {  	s7 =	simm.s32 $0x200;
	[sflag:s3] =	ssyncset.done $0x0  }
0xa: {  	s5 =	sadd.s32 $0xA00, s5;
	s6 =	simm.s32 $0x80;
	[sflag:s3] =	ssyncadd.s32 $0xFFFFFE00  }
0xb: {  	[tilespmem:s7], [sflag:$0x1] =	stream.indirect.gather [hbm4b:s5+s6], $0x40, s2, s6, $0xb8;
	[tilespmem:$0x8200] =	vst v63  }
0xc: {  	s8 =	simm.s32 $0x2200  }
0xd: {  	[tilespmem:s8], [sflag:$0x1] =	stream.indirect.gather [hbm4b:s5+s6], $0x40, s6, s6, $0xb8;
	[tilespmem:$0x8200] =	vst v63  }
0xe: {  	s9 =	simm.s32 $0x100;
	s10 =	simm.s32 $0x4200  }
0xf: {  	[tilespmem:s10], [sflag:$0x1] =	stream.indirect.gather [hbm4b:s5+s6], $0x40, s9, s6, $0xb8;
	[tilespmem:$0x8200] =	vst v63  }
0x10: {  	s11 =	simm.s32 $0x180;
	s12 =	simm.s32 $0x6200;
	s13 =	simm.s32 $0x1  }
0x11: {  	[tilespmem:s12], [sflag:$0x1] =	stream.indirect.gather [hbm4b:s5+s6], $0x40, s11, s6, $0xb8;
	[tilespmem:$0x8200] =	vst v63  }
0x12: {  	_ =	swait.ge [sflag:s13], $0x2000  }
0x13: {  	[sflag:s13] =	ssyncset.done $0x0  }
0x14: {  	[sflag:s13] =	ssyncadd.s32 $0xFFFFE000  }
0x15: {  	_ =	swait.ge [sflag:s13], $0x2000  }
0x16: {  	[sflag:s13] =	ssyncset.done $0x0  }
0x17: {  	s14 =	ssub.s32 $0x2, s14;
	[sflag:s13] =	ssyncadd.s32 $0xFFFFE000  }
0x18: {  	s17 =	sshrl.u32 s14, $0x1;
	_ =	swait.ge [sflag:s13], $0x2000  }
0x19: {  	s17 =	ssub.s32 s14, s17;
	[sflag:s13] =	ssyncset.done $0x0  }
0x1a: {  	s31 =	smax.u32 s17, $0x1;
	[sflag:s13] =	ssyncadd.s32 $0xFFFFE000  }
0x1b: {  	p0 =	sne.s32 s31, $0x1;
	_ =	swait.ge [sflag:s13], $0x2000  }
.Ltmp0:
0x1c: {  	s16 =	sshll.u32 s16, $0x4;
	[sflag:s13] =	ssyncset.done $0x0;
	(pc) =	sbr.rel @!p0 .LBB2_2-.Ltmp0, $4  }
0x1d: {  	s14 =	sadd.s32 s15, s16;
	s15 =	simm.s32 $0x40;
	[sflag:s13] =	ssyncadd.s32 $0xFFFFE000  }
0x1e: {  	[hbm4b:s14+s15] =	stream.strided.scatter [tilespmem:s7], [sflag:$0x2], $0x8000, s6, s15, $0x38;
	[tilespmem:$0x8200] =	vst v63  }
0x1f: {  	_ =	swait.ge [sflag:s3], $0x8000  }
0x20: {  	s16 =	sadd.s32 $0xFFFFFFFF, s31;
	[sflag:s3] =	ssyncset.done $0x0  }
.LBB2_1:
0x21: {  	p0 =	sne.s32 s16, $0x1;
	s16 =	sadd.s32 $0xFFFFFFFF, s16;
	[sflag:s3] =	ssyncadd.s32 $0xFFFF8000  }
0x22: {  	[tilespmem:s2], [sflag:$0x2] =	stream.linear.gather [hbm4b:s4+s2], $0x200, $0x38;
	[tilespmem:$0x8200] =	vst v63  }
0x23: {  	_ =	swait.ge [sflag:s3], $0x200  }
0x24: {  	[sflag:s3] =	ssyncset.done $0x0  }
0x25: {  	[sflag:s3] =	ssyncadd.s32 $0xFFFFFE00  }
0x26: {  	[tilespmem:s7], [sflag:$0x1] =	stream.indirect.gather [hbm4b:s5+s6], $0x40, s2, s6, $0xb8;
	[tilespmem:$0x8200] =	vst v63  }
0x27: {  	_ = 	snop  }
0x28: {  	[tilespmem:s8], [sflag:$0x1] =	stream.indirect.gather [hbm4b:s5+s6], $0x40, s6, s6, $0xb8;
	[tilespmem:$0x8200] =	vst v63  }
0x29: {  	_ = 	snop  }
0x2a: {  	[tilespmem:s10], [sflag:$0x1] =	stream.indirect.gather [hbm4b:s5+s6], $0x40, s9, s6, $0xb8;
	[tilespmem:$0x8200] =	vst v63  }
0x2b: {  	_ = 	snop  }
0x2c: {  	[tilespmem:s12], [sflag:$0x1] =	stream.indirect.gather [hbm4b:s5+s6], $0x40, s11, s6, $0xb8;
	[tilespmem:$0x8200] =	vst v63  }
0x2d: {  	_ =	swait.ge [sflag:s13], $0x2000  }
0x2e: {  	[sflag:s13] =	ssyncset.done $0x0  }
0x2f: {  	[sflag:s13] =	ssyncadd.s32 $0xFFFFE000  }
0x30: {  	_ =	swait.ge [sflag:s13], $0x2000  }
0x31: {  	[sflag:s13] =	ssyncset.done $0x0  }
0x32: {  	[sflag:s13] =	ssyncadd.s32 $0xFFFFE000  }
0x33: {  	_ =	swait.ge [sflag:s13], $0x2000  }
0x34: {  	[sflag:s13] =	ssyncset.done $0x0  }
0x35: {  	[sflag:s13] =	ssyncadd.s32 $0xFFFFE000  }
0x36: {  	_ =	swait.ge [sflag:s13], $0x2000  }
.Ltmp1:
0x37: {  	[sflag:s13] =	ssyncset.done $0x0;
	(pc) =	sbr.rel @p0 .LBB2_1-.Ltmp1, $4  }
0x38: {  	[sflag:s13] =	ssyncadd.s32 $0xFFFFE000  }
0x39: {  	[hbm4b:s14+s15] =	stream.strided.scatter [tilespmem:s7], [sflag:$0x2], $0x8000, s6, s15, $0x38;
	[tilespmem:$0x8200] =	vst v63  }
0x3a: {  	_ =	swait.ge [sflag:s3], $0x8000  }
0x3b: {  	[sflag:s3] =	ssyncset.done $0x0  }
.LBB2_2:
0x3c: {  	[sflag:s3] =	ssyncadd.s32 $0xFFFF8000  }
0x3d: {  	_ =	sfence.sel $0x180000  }
0x3e: {  	[bflag:$0x0] =	sbarrier.arrive $0xFFFF  }
0x3f: {  	p0 =	sne.s32 s0, $0x0;
	_ =	strace $0x90000047  }
0x40: {  	s0 =	sadd.s32 @!p0 $0x100000, s1;
	[bflag:$0x2] =	sbarrier.arrive $0xFFFF  }
0x41: {  	[sflag:s0] =	ssyncadd.tile.s32 @!p0 $0x1;
	_ =	shalt  }
.Lfunc_end2:
_tile_overlayer_lowered:
.L_overlay_start_2:
0x42: {  	(tag) =	ssettag $0x2  }
0x43: {  	s0 =	rddreg [dreg:$0x0];
	s2 =	stileid.u32  }
0x44: {  	s1 =	rddreg [dreg:$0x1];
	p0 =	sne.s32 s2, $0x0  }
0x45: {  	s3 =	rddreg [dreg:$0x2];
	[bflag:$0x3] =	sbarrier.arrive $0xFFFF;
	s2 =	simm.s32 @!p0 $0x1C02  }
0x46: {  	[timem:s3], [sflag:s2] =	dma.local @!p0 [hbm:s0], s1  }
0x47: {  	s0 =	simm.s32 @!p0 $0x2  }
0x48: {  	_ =	swait.ge @!p0 [sflag:s0], s1  }
0x49: {  	s1 =	ssub.s32 @!p0 $0x0, s1;
	[sflag:s0] =	ssyncset.done @!p0 $0x0  }
0x4a: {  	[sflag:s0] =	ssyncadd.s32 @!p0 s1  }
0x4b: {  	[bflag:$0x3] =	sbarrier.arrive $0xFFFF  }
0x4c: {  	_ =	shalt  }

</sc_bundles>
